<compile_context>
chip_gen: v7x
topology: tpu7x:2x2x1
jax: 0.10.2.dev20260603
libtpu: 0.0.44.dev20260713+nightly
codegen_flags: <defaults>
</compile_context>

<pallas_src>
import jax
import jax.numpy as jnp
from jax import lax
from jax.experimental import pallas as pl
from jax.experimental.pallas import tpu as pltpu
from jax.experimental.pallas import tpu_sc as plsc

N = 10000
E = 320000
D = 128
DA = 144
NW = 32
CHUNK = 56
NBUF = 4
PH = 36
NPH0 = 8
NPH1 = 2
NCHT = (NPH0 + NPH1) * PH // 2
EP = NW * NCHT * CHUNK
DUMP = 10240
NR = 10368
IR = NR // 16
NC = 10240
CR = NC // 16
BLK = 1000


def _prep_body(x_ref, ps_ref, pc_ref, wxa_ref, wpa_ref, wp_ref, b_ref,
               u_ref, t_ref):
    u = jnp.dot(x_ref[0], wxa_ref[...], preferred_element_type=jnp.float32)
    wpa = wpa_ref[...]
    wp = wp_ref[...]
    ps = ps_ref[0]
    pc = pc_ref[0]
    tcol = b_ref[...]
    for k in range(3):
        u = u + ps[:, k : k + 1] * wpa[k : k + 1, :]
        tcol = tcol - pc[:, k : k + 1] * wp[k : k + 1, :]
    lane = lax.broadcasted_iota(jnp.int32, (BLK, DA), 1)
    u_ref[...] = u + (lane == D).astype(jnp.float32)
    t_ref[...] = tcol


def _prep(x, pos, wxa, wpa, wp, b2):
    return pl.pallas_call(
        _prep_body,
        grid=(N // BLK,),
        in_specs=[
            pl.BlockSpec((1, BLK, D), lambda i: (0, i, 0)),
            pl.BlockSpec((1, BLK, 3), lambda i: (0, i, 0)),
            pl.BlockSpec((1, BLK, 3), lambda i: (1, i, 0)),
            pl.BlockSpec((D, DA), lambda i: (0, 0)),
            pl.BlockSpec((8, DA), lambda i: (0, 0)),
            pl.BlockSpec((8, D), lambda i: (0, 0)),
            pl.BlockSpec((1, D), lambda i: (0, 0)),
        ],
        out_specs=[
            pl.BlockSpec((BLK, DA), lambda i: (i, 0)),
            pl.BlockSpec((BLK, D), lambda i: (i, 0)),
        ],
        out_shape=[
            jax.ShapeDtypeStruct((N, DA), jnp.float32),
            jax.ShapeDtypeStruct((N, D), jnp.float32),
        ],
    )(x, pos, pos, wxa, wpa, wp, b2)


def _sc_body(u_hbm, e_hbm, p0_hbm, p1_hbm,
             src_v, dst_v, buf0, buf1, buf2, buf3, acc, gsem, ssem):
    c = lax.axis_index("c")
    s = lax.axis_index("s")
    wid = c * 16 + s

    zero16 = jnp.zeros((16,), jnp.float32)

    def fill(r, carry):
        for k in range(DA // 16):
            buf0[r, pl.ds(k * 16, 16)] = zero16
        return carry

    lax.fori_loop(0, CHUNK, fill, 0)

    zb = s * IR
    for j in range(IR // CHUNK):
        pltpu.async_copy(buf0, acc.at[pl.ds(zb + j * CHUNK, CHUNK)], gsem)
    pltpu.async_copy(buf0.at[pl.ds(0, IR % CHUNK)],
                     acc.at[pl.ds(zb + IR - IR % CHUNK, IR % CHUNK)], gsem)
    for j in range(IR // CHUNK):
        pltpu.make_async_copy(buf0, acc.at[pl.ds(zb, CHUNK)], gsem).wait()
    pltpu.make_async_copy(buf0.at[pl.ds(0, IR % CHUNK)],
                          acc.at[pl.ds(zb, IR % CHUNK)], gsem).wait()
    plsc.subcore_barrier()

    bufs = (buf0, buf1, buf2, buf3)

    def gather(j, b):
        pltpu.async_copy(u_hbm.at[src_v.at[j]], b, gsem)

    def gwait():
        pltpu.make_async_copy(u_hbm.at[src_v.at[0]], buf0, gsem).wait()

    def scat(j, b):
        pltpu.async_copy(b, acc.at[dst_v.at[j]], ssem, add=True)

    def swait():
        pltpu.make_async_copy(buf0, acc.at[dst_v.at[0]], ssem).wait()

    def group(g, carry):
        for p in range(NBUF):
            j = NBUF * g + p
            gwait()
            if p < 2:
                @pl.when(g > 0)
                def _():
                    swait()
                    gather(j + 2, bufs[p + 2])
            else:
                swait()

                @pl.when(g < PH // NBUF - 1)
                def _():
                    gather(j + 2, bufs[p - 2])
            scat(j, bufs[p])
        return carry

    pbase = jnp.where(c == 0, s * NPH0, 16 * NPH0 + s * NPH1)
    nph = jnp.where(c == 0, NPH0, NPH1)

    def phase(ph, carry):
        base = (pbase + ph) * PH
        pltpu.sync_copy(e_hbm.at[0, pl.ds(base, PH)], src_v)
        pltpu.sync_copy(e_hbm.at[1, pl.ds(base, PH)], dst_v)
        for b in range(NBUF):
            gather(b, bufs[b])
        lax.fori_loop(0, PH // NBUF, group, 0)
        swait()
        swait()
        return carry

    lax.fori_loop(0, nph, phase, 0)

    plsc.subcore_barrier()

    nb = s * CR

    @pl.when(c == 0)
    def _():
        pltpu.sync_copy(acc.at[pl.ds(nb, CR)], p0_hbm.at[pl.ds(nb, CR)])

    @pl.when(c == 1)
    def _():
        pltpu.sync_copy(acc.at[pl.ds(nb, CR)], p1_hbm.at[pl.ds(nb, CR)])


def _scatter(u, e_pad):
    mesh = plsc.VectorSubcoreMesh(
        core_axis_name="c", subcore_axis_name="s", num_cores=2, num_subcores=16
    )
    f = pl.kernel(
        _sc_body,
        mesh=mesh,
        out_type=[
            jax.ShapeDtypeStruct((NC, DA), jnp.float32),
            jax.ShapeDtypeStruct((NC, DA), jnp.float32),
        ],
        scratch_types=[
            pltpu.VMEM((PH, CHUNK), jnp.int32),
            pltpu.VMEM((PH, CHUNK), jnp.int32),
            pltpu.VMEM((CHUNK, DA), jnp.float32),
            pltpu.VMEM((CHUNK, DA), jnp.float32),
            pltpu.VMEM((CHUNK, DA), jnp.float32),
            pltpu.VMEM((CHUNK, DA), jnp.float32),
            pltpu.VMEM_SHARED((NR, DA), jnp.float32),
            pltpu.SemaphoreType.DMA,
            pltpu.SemaphoreType.DMA,
        ],
        compiler_params=pltpu.CompilerParams(use_tc_tiling_on_sc=False),
    )
    return f(u, e_pad)


def _combine_body(p0_ref, p1_ref, t_ref, o_ref):
    p0 = p0_ref[...]
    p1 = p1_ref[...]
    cnt = p0[:, D : D + 1] + p1[:, D : D + 1]
    o_ref[...] = p0[:, :D] + p1[:, :D] + cnt * t_ref[...]


def _combine(p0, p1, t):
    return pl.pallas_call(
        _combine_body,
        grid=(N // BLK,),
        in_specs=[
            pl.BlockSpec((BLK, DA), lambda i: (i, 0)),
            pl.BlockSpec((BLK, DA), lambda i: (i, 0)),
            pl.BlockSpec((BLK, D), lambda i: (i, 0)),
        ],
        out_specs=pl.BlockSpec((BLK, D), lambda i: (i, 0)),
        out_shape=jax.ShapeDtypeStruct((N, D), jnp.float32),
    )(p0, p1, t)


@jax.jit
def kernel(x, pos, edge_index, W, b):
    wxa = jnp.pad(W[:D], ((0, 0), (0, DA - D)))
    wpa = jnp.pad(W[D:], ((0, 5), (0, DA - D)))
    wp = jnp.pad(W[D:], ((0, 5), (0, 0)))
    b2 = b[None, :]

    u, t = _prep(x, pos, wxa, wpa, wp, b2)

    pad = jnp.concatenate(
        [jnp.zeros((1, EP - E), jnp.int32),
         jnp.full((1, EP - E), DUMP, jnp.int32)], axis=0)
    e_pad = jnp.concatenate([edge_index, pad], axis=1).reshape(2, EP // CHUNK, CHUNK)

    p0, p1 = _scatter(u, e_pad)
    return _combine(p0, p1, t)

# --- scband reference (transcript-rebuilt; emitter-appended) ---
"""Pipeline reference for scband-point-net-conv-88553635709089 (READ-ONLY COPY).

The authoritative reference and input builder live on the scoring server;
editing this copy changes nothing except your own understanding.
"""

import jax, jax.numpy as jnp
import numpy as np

N_NODES = 10000
N_EDGES = 320000
D_FEAT = 128
D_OUT = 128
D_IN = D_FEAT + 3


def setup_inputs(seed: int = 0) -> dict:
    key = jax.random.key(seed)
    k1, k2, k3, k4, k5 = jax.random.split(key, 5)
    # x packs (x_src_table, x_dst_table); pos packs (pos_src_table, pos_dst_table)
    x = jax.random.normal(k1, (2, N_NODES, D_FEAT), dtype=jnp.float32)
    pos = jax.random.normal(k2, (2, N_NODES, 3), dtype=jnp.float32)
    edge_index = jax.random.randint(k3, (2, N_EDGES), 0, N_NODES, dtype=jnp.int32)
    # learned params of self.nn = Linear(D_IN, D_OUT)
    W = jax.random.normal(k4, (D_IN, D_OUT), dtype=jnp.float32) * (1.0 / np.sqrt(D_IN))
    b = jax.random.normal(k5, (D_OUT,), dtype=jnp.float32) * 0.01
    return {"x": x, "pos": pos, "edge_index": edge_index, "W": W, "b": b}


def reference(x, pos, edge_index, W, b):
    src = edge_index[0]
    dst = edge_index[1]
    x_src, x_c = x[0], x[1]
    pos_src, pos_c = pos[0], pos[1]
    # gather per-edge features
    edge_in = jnp.concatenate([jnp.take(x_src, src, axis=0),
                               jnp.take(pos_src, src, axis=0) - jnp.take(pos_c, dst, axis=0)],
                              axis=1)
    # self.nn (Linear) applied per edge
    edge_features = edge_in @ W + b
    # scatter-sum into dst nodes (aggr='sum'), dim_size = x_c.shape[0]
    out = jax.ops.segment_sum(edge_features, dst, num_segments=x_c.shape[0])
    return out

if __name__ == "__main__":
    import jax
    _d = setup_inputs()
    print(jax.jit(kernel)(*tuple(_d.values())))

</pallas_src>

<mosaic_0001>
#map = affine_map<(d0, d1) -> (0, 0)>
#map1 = affine_map<(d0, d1) -> (0, 0, 0)>
module attributes {stable_mosaic.version = 14 : i64} {
  func.func @_sc_body(%arg0: i32, %arg1: i32, %arg2: memref<10000x144xf32, #tpu.memory_space<hbm>>, %arg3: memref<2x5760x56xi32, #tpu.memory_space<hbm>>, %arg4: memref<10240x144xf32, #tpu.memory_space<hbm>>, %arg5: memref<10240x144xf32, #tpu.memory_space<hbm>>, %arg6: memref<36x56xi32, #tpu.memory_space<vmem>>, %arg7: memref<36x56xi32, #tpu.memory_space<vmem>>, %arg8: memref<56x144xf32, #tpu.memory_space<vmem>>, %arg9: memref<56x144xf32, #tpu.memory_space<vmem>>, %arg10: memref<56x144xf32, #tpu.memory_space<vmem>>, %arg11: memref<56x144xf32, #tpu.memory_space<vmem>>, %arg12: memref<10368x144xf32, #tpu.memory_space<vmem_shared>>, %arg13: memref<!tpu.dma_semaphore, #tpu.memory_space<semaphore_mem>>, %arg14: memref<!tpu.dma_semaphore, #tpu.memory_space<semaphore_mem>>) attributes {dimension_semantics = [#tpu.dimension_semantics<core_parallel>, #tpu.dimension_semantics<subcore_parallel>], iteration_bounds = array<i64: 2, 16>, scalar_prefetch = 0 : i64, scratch_operands = 9 : i64, tpu.core_type = #tpu.core_type<sc_vector_subcore>, window_params = [{transform_indices = #map}, {transform_indices = #map1}, {transform_indices = #map}, {transform_indices = #map}]} {
    %mul3A = arith.constant 16 : i32
    %mul3A_0 = arith.muli %arg0, %mul3A : i32
    %add3A = arith.addi %mul3A_0, %arg1 : i32
    %broadcast_in_dim3A = arith.constant 0.000000e+00 : f32
    %broadcast_in_dim3A_1 = vector.broadcast %broadcast_in_dim3A : f32 to vector<16xf32>
    %scan3A = arith.constant 0 : i32
    %scan3A_2 = arith.constant 0 : i32
    %scan3A_3 = arith.constant 56 : i32
    %scan3A_4 = arith.addi %scan3A_2, %scan3A_3 : i32
    %scan3A_5 = arith.constant 1 : i32
    scf.for %scan3A_171 = %scan3A_2 to %scan3A_4 step %scan3A_5  : i32 {
      %swap3A = arith.index_cast %scan3A_171 : i32 to index
      %swap3A_172 = arith.constant 0 : index
      %swap3A_173 = tpu.vector_load %arg8[%swap3A, %swap3A_172] {strides = array<i32>} : memref<56x144xf32, #tpu.memory_space<vmem>>, vector<1x16xf32>,
      %swap3A_174 = vector.shape_cast %swap3A_173 : vector<1x16xf32> to vector<16xf32>
      %swap3A_175 = vector.shape_cast %broadcast_in_dim3A_1 : vector<16xf32> to vector<1x16xf32>
      tpu.vector_store %arg8[%swap3A, %swap3A_172], %swap3A_175 {strides = array<i32>} : memref<56x144xf32, #tpu.memory_space<vmem>>, vector<1x16xf32>,
      %swap3A_176 = arith.index_cast %scan3A_171 : i32 to index
      %swap3A_177 = arith.constant 16 : index
      %swap3A_178 = tpu.vector_load %arg8[%swap3A_176, %swap3A_177] {strides = array<i32>} : memref<56x144xf32, #tpu.memory_space<vmem>>, vector<1x16xf32>,
      %swap3A_179 = vector.shape_cast %swap3A_178 : vector<1x16xf32> to vector<16xf32>
      %swap3A_180 = vector.shape_cast %broadcast_in_dim3A_1 : vector<16xf32> to vector<1x16xf32>
      tpu.vector_store %arg8[%swap3A_176, %swap3A_177], %swap3A_180 {strides = array<i32>} : memref<56x144xf32, #tpu.memory_space<vmem>>, vector<1x16xf32>,
      %swap3A_181 = arith.index_cast %scan3A_171 : i32 to index
      %swap3A_182 = arith.constant 32 : index
      %swap3A_183 = tpu.vector_load %arg8[%swap3A_181, %swap3A_182] {strides = array<i32>} : memref<56x144xf32, #tpu.memory_space<vmem>>, vector<1x16xf32>,
      %swap3A_184 = vector.shape_cast %swap3A_183 : vector<1x16xf32> to vector<16xf32>
      %swap3A_185 = vector.shape_cast %broadcast_in_dim3A_1 : vector<16xf32> to vector<1x16xf32>
      tpu.vector_store %arg8[%swap3A_181, %swap3A_182], %swap3A_185 {strides = array<i32>} : memref<56x144xf32, #tpu.memory_space<vmem>>, vector<1x16xf32>,
      %swap3A_186 = arith.index_cast %scan3A_171 : i32 to index
      %swap3A_187 = arith.constant 48 : index
      %swap3A_188 = tpu.vector_load %arg8[%swap3A_186, %swap3A_187] {strides = array<i32>} : memref<56x144xf32, #tpu.memory_space<vmem>>, vector<1x16xf32>,
      %swap3A_189 = vector.shape_cast %swap3A_188 : vector<1x16xf32> to vector<16xf32>
      %swap3A_190 = vector.shape_cast %broadcast_in_dim3A_1 : vector<16xf32> to vector<1x16xf32>
      tpu.vector_store %arg8[%swap3A_186, %swap3A_187], %swap3A_190 {strides = array<i32>} : memref<56x144xf32, #tpu.memory_space<vmem>>, vector<1x16xf32>,
      %swap3A_191 = arith.index_cast %scan3A_171 : i32 to index
      %swap3A_192 = arith.constant 64 : index
      %swap3A_193 = tpu.vector_load %arg8[%swap3A_191, %swap3A_192] {strides = array<i32>} : memref<56x144xf32, #tpu.memory_space<vmem>>, vector<1x16xf32>,
      %swap3A_194 = vector.shape_cast %swap3A_193 : vector<1x16xf32> to vector<16xf32>
      %swap3A_195 = vector.shape_cast %broadcast_in_dim3A_1 : vector<16xf32> to vector<1x16xf32>
      tpu.vector_store %arg8[%swap3A_191, %swap3A_192], %swap3A_195 {strides = array<i32>} : memref<56x144xf32, #tpu.memory_space<vmem>>, vector<1x16xf32>,
      %swap3A_196 = arith.index_cast %scan3A_171 : i32 to index
      %swap3A_197 = arith.constant 80 : index
      %swap3A_198 = tpu.vector_load %arg8[%swap3A_196, %swap3A_197] {strides = array<i32>} : memref<56x144xf32, #tpu.memory_space<vmem>>, vector<1x16xf32>,
      %swap3A_199 = vector.shape_cast %swap3A_198 : vector<1x16xf32> to vector<16xf32>
      %swap3A_200 = vector.shape_cast %broadcast_in_dim3A_1 : vector<16xf32> to vector<1x16xf32>
      tpu.vector_store %arg8[%swap3A_196, %swap3A_197], %swap3A_200 {strides = array<i32>} : memref<56x144xf32, #tpu.memory_space<vmem>>, vector<1x16xf32>,
      %swap3A_201 = arith.index_cast %scan3A_171 : i32 to index
      %swap3A_202 = arith.constant 96 : index
      %swap3A_203 = tpu.vector_load %arg8[%swap3A_201, %swap3A_202] {strides = array<i32>} : memref<56x144xf32, #tpu.memory_space<vmem>>, vector<1x16xf32>,
      %swap3A_204 = vector.shape_cast %swap3A_203 : vector<1x16xf32> to vector<16xf32>
      %swap3A_205 = vector.shape_cast %broadcast_in_dim3A_1 : vector<16xf32> to vector<1x16xf32>
      tpu.vector_store %arg8[%swap3A_201, %swap3A_202], %swap3A_205 {strides = array<i32>} : memref<56x144xf32, #tpu.memory_space<vmem>>, vector<1x16xf32>,
      %swap3A_206 = arith.index_cast %scan3A_171 : i32 to index
      %swap3A_207 = arith.constant 112 : index
      %swap3A_208 = tpu.vector_load %arg8[%swap3A_206, %swap3A_207] {strides = array<i32>} : memref<56x144xf32, #tpu.memory_space<vmem>>, vector<1x16xf32>,
      %swap3A_209 = vector.shape_cast %swap3A_208 : vector<1x16xf32> to vector<16xf32>
      %swap3A_210 = vector.shape_cast %broadcast_in_dim3A_1 : vector<16xf32> to vector<1x16xf32>
      tpu.vector_store %arg8[%swap3A_206, %swap3A_207], %swap3A_210 {strides = array<i32>} : memref<56x144xf32, #tpu.memory_space<vmem>>, vector<1x16xf32>,
      %swap3A_211 = arith.index_cast %scan3A_171 : i32 to index
      %swap3A_212 = arith.constant 128 : index
      %swap3A_213 = tpu.vector_load %arg8[%swap3A_211, %swap3A_212] {strides = array<i32>} : memref<56x144xf32, #tpu.memory_space<vmem>>, vector<1x16xf32>,
      %swap3A_214 = vector.shape_cast %swap3A_213 : vector<1x16xf32> to vector<16xf32>
      %swap3A_215 = vector.shape_cast %broadcast_in_dim3A_1 : vector<16xf32> to vector<1x16xf32>
      tpu.vector_store %arg8[%swap3A_211, %swap3A_212], %swap3A_215 {strides = array<i32>} : memref<56x144xf32, #tpu.memory_space<vmem>>, vector<1x16xf32>,
    }
    %scan3A_6 = arith.constant 56 : i32
    %mul3A_7 = arith.constant 648 : i32
    %mul3A_8 = arith.muli %arg1, %mul3A_7 : i32
    %add3A_9 = arith.constant 0 : i32
    %add3A_10 = arith.addi %mul3A_8, %add3A_9 : i32
    %dma_start3A = arith.constant 0 : i32
    %dma_start3A_11 = tpu.memref_slice %arg12[%add3A_10, %dma_start3A] : memref<10368x144xf32, #tpu.memory_space<vmem_shared>> -> memref<56x144xf32, #tpu.memory_space<vmem_shared>>
    %dma_start3A_12 = arith.constant 0 : i32
    %dma_start3A_13 = tpu.memref_slice %arg12[%add3A_10, %dma_start3A_12] : memref<10368x144xf32, #tpu.memory_space<vmem_shared>> -> memref<56x144xf32, #tpu.memory_space<vmem_shared>>
    tpu.enqueue_dma source(%arg8 : memref<56x144xf32, #tpu.memory_space<vmem>>) target(%dma_start3A_13 : memref<56x144xf32, #tpu.memory_space<vmem_shared>>) target_semaphore(%arg13 : memref<!tpu.dma_semaphore, #tpu.memory_space<semaphore_mem>>)
    %add3A_14 = arith.constant 56 : i32
    %add3A_15 = arith.addi %mul3A_8, %add3A_14 : i32
    %dma_start3A_16 = arith.constant 0 : i32
    %dma_start3A_17 = tpu.memref_slice %arg12[%add3A_15, %dma_start3A_16] : memref<10368x144xf32, #tpu.memory_space<vmem_shared>> -> memref<56x144xf32, #tpu.memory_space<vmem_shared>>
    %dma_start3A_18 = arith.constant 0 : i32
    %dma_start3A_19 = tpu.memref_slice %arg12[%add3A_15, %dma_start3A_18] : memref<10368x144xf32, #tpu.memory_space<vmem_shared>> -> memref<56x144xf32, #tpu.memory_space<vmem_shared>>
    tpu.enqueue_dma source(%arg8 : memref<56x144xf32, #tpu.memory_space<vmem>>) target(%dma_start3A_19 : memref<56x144xf32, #tpu.memory_space<vmem_shared>>) target_semaphore(%arg13 : memref<!tpu.dma_semaphore, #tpu.memory_space<semaphore_mem>>)
    %add3A_20 = arith.constant 112 : i32
    %add3A_21 = arith.addi %mul3A_8, %add3A_20 : i32
    %dma_start3A_22 = arith.constant 0 : i32
    %dma_start3A_23 = tpu.memref_slice %arg12[%add3A_21, %dma_start3A_22] : memref<10368x144xf32, #tpu.memory_space<vmem_shared>> -> memref<56x144xf32, #tpu.memory_space<vmem_shared>>
    %dma_start3A_24 = arith.constant 0 : i32
    %dma_start3A_25 = tpu.memref_slice %arg12[%add3A_21, %dma_start3A_24] : memref<10368x144xf32, #tpu.memory_space<vmem_shared>> -> memref<56x144xf32, #tpu.memory_space<vmem_shared>>
    tpu.enqueue_dma source(%arg8 : memref<56x144xf32, #tpu.memory_space<vmem>>) target(%dma_start3A_25 : memref<56x144xf32, #tpu.memory_space<vmem_shared>>) target_semaphore(%arg13 : memref<!tpu.dma_semaphore, #tpu.memory_space<semaphore_mem>>)
    %add3A_26 = arith.constant 168 : i32
    %add3A_27 = arith.addi %mul3A_8, %add3A_26 : i32
    %dma_start3A_28 = arith.constant 0 : i32
    %dma_start3A_29 = tpu.memref_slice %arg12[%add3A_27, %dma_start3A_28] : memref<10368x144xf32, #tpu.memory_space<vmem_shared>> -> memref<56x144xf32, #tpu.memory_space<vmem_shared>>
    %dma_start3A_30 = arith.constant 0 : i32
    %dma_start3A_31 = tpu.memref_slice %arg12[%add3A_27, %dma_start3A_30] : memref<10368x144xf32, #tpu.memory_space<vmem_shared>> -> memref<56x144xf32, #tpu.memory_space<vmem_shared>>
    tpu.enqueue_dma source(%arg8 : memref<56x144xf32, #tpu.memory_space<vmem>>) target(%dma_start3A_31 : memref<56x144xf32, #tpu.memory_space<vmem_shared>>) target_semaphore(%arg13 : memref<!tpu.dma_semaphore, #tpu.memory_space<semaphore_mem>>)
    %add3A_32 = arith.constant 224 : i32
    %add3A_33 = arith.addi %mul3A_8, %add3A_32 : i32
    %dma_start3A_34 = arith.constant 0 : i32
    %dma_start3A_35 = tpu.memref_slice %arg12[%add3A_33, %dma_start3A_34] : memref<10368x144xf32, #tpu.memory_space<vmem_shared>> -> memref<56x144xf32, #tpu.memory_space<vmem_shared>>
    %dma_start3A_36 = arith.constant 0 : i32
    %dma_start3A_37 = tpu.memref_slice %arg12[%add3A_33, %dma_start3A_36] : memref<10368x144xf32, #tpu.memory_space<vmem_shared>> -> memref<56x144xf32, #tpu.memory_space<vmem_shared>>
    tpu.enqueue_dma source(%arg8 : memref<56x144xf32, #tpu.memory_space<vmem>>) target(%dma_start3A_37 : memref<56x144xf32, #tpu.memory_space<vmem_shared>>) target_semaphore(%arg13 : memref<!tpu.dma_semaphore, #tpu.memory_space<semaphore_mem>>)
    %add3A_38 = arith.constant 280 : i32
    %add3A_39 = arith.addi %mul3A_8, %add3A_38 : i32
    %dma_start3A_40 = arith.constant 0 : i32
    %dma_start3A_41 = tpu.memref_slice %arg12[%add3A_39, %dma_start3A_40] : memref<10368x144xf32, #tpu.memory_space<vmem_shared>> -> memref<56x144xf32, #tpu.memory_space<vmem_shared>>
    %dma_start3A_42 = arith.constant 0 : i32
    %dma_start3A_43 = tpu.memref_slice %arg12[%add3A_39, %dma_start3A_42] : memref<10368x144xf32, #tpu.memory_space<vmem_shared>> -> memref<56x144xf32, #tpu.memory_space<vmem_shared>>
    tpu.enqueue_dma source(%arg8 : memref<56x144xf32, #tpu.memory_space<vmem>>) target(%dma_start3A_43 : memref<56x144xf32, #tpu.memory_space<vmem_shared>>) target_semaphore(%arg13 : memref<!tpu.dma_semaphore, #tpu.memory_space<semaphore_mem>>)
    %add3A_44 = arith.constant 336 : i32
    %add3A_45 = arith.addi %mul3A_8, %add3A_44 : i32
    %dma_start3A_46 = arith.constant 0 : i32
    %dma_start3A_47 = tpu.memref_slice %arg12[%add3A_45, %dma_start3A_46] : memref<10368x144xf32, #tpu.memory_space<vmem_shared>> -> memref<56x144xf32, #tpu.memory_space<vmem_shared>>
    %dma_start3A_48 = arith.constant 0 : i32
    %dma_start3A_49 = tpu.memref_slice %arg12[%add3A_45, %dma_start3A_48] : memref<10368x144xf32, #tpu.memory_space<vmem_shared>> -> memref<56x144xf32, #tpu.memory_space<vmem_shared>>
    tpu.enqueue_dma source(%arg8 : memref<56x144xf32, #tpu.memory_space<vmem>>) target(%dma_start3A_49 : memref<56x144xf32, #tpu.memory_space<vmem_shared>>) target_semaphore(%arg13 : memref<!tpu.dma_semaphore, #tpu.memory_space<semaphore_mem>>)
    %add3A_50 = arith.constant 392 : i32
    %add3A_51 = arith.addi %mul3A_8, %add3A_50 : i32
    %dma_start3A_52 = arith.constant 0 : i32
    %dma_start3A_53 = tpu.memref_slice %arg12[%add3A_51, %dma_start3A_52] : memref<10368x144xf32, #tpu.memory_space<vmem_shared>> -> memref<56x144xf32, #tpu.memory_space<vmem_shared>>
    %dma_start3A_54 = arith.constant 0 : i32
    %dma_start3A_55 = tpu.memref_slice %arg12[%add3A_51, %dma_start3A_54] : memref<10368x144xf32, #tpu.memory_space<vmem_shared>> -> memref<56x144xf32, #tpu.memory_space<vmem_shared>>
    tpu.enqueue_dma source(%arg8 : memref<56x144xf32, #tpu.memory_space<vmem>>) target(%dma_start3A_55 : memref<56x144xf32, #tpu.memory_space<vmem_shared>>) target_semaphore(%arg13 : memref<!tpu.dma_semaphore, #tpu.memory_space<semaphore_mem>>)
    %add3A_56 = arith.constant 448 : i32
    %add3A_57 = arith.addi %mul3A_8, %add3A_56 : i32
    %dma_start3A_58 = arith.constant 0 : i32
    %dma_start3A_59 = tpu.memref_slice %arg12[%add3A_57, %dma_start3A_58] : memref<10368x144xf32, #tpu.memory_space<vmem_shared>> -> memref<56x144xf32, #tpu.memory_space<vmem_shared>>
    %dma_start3A_60 = arith.constant 0 : i32
    %dma_start3A_61 = tpu.memref_slice %arg12[%add3A_57, %dma_start3A_60] : memref<10368x144xf32, #tpu.memory_space<vmem_shared>> -> memref<56x144xf32, #tpu.memory_space<vmem_shared>>
    tpu.enqueue_dma source(%arg8 : memref<56x144xf32, #tpu.memory_space<vmem>>) target(%dma_start3A_61 : memref<56x144xf32, #tpu.memory_space<vmem_shared>>) target_semaphore(%arg13 : memref<!tpu.dma_semaphore, #tpu.memory_space<semaphore_mem>>)
    %add3A_62 = arith.constant 504 : i32
    %add3A_63 = arith.addi %mul3A_8, %add3A_62 : i32
    %dma_start3A_64 = arith.constant 0 : i32
    %dma_start3A_65 = tpu.memref_slice %arg12[%add3A_63, %dma_start3A_64] : memref<10368x144xf32, #tpu.memory_space<vmem_shared>> -> memref<56x144xf32, #tpu.memory_space<vmem_shared>>
    %dma_start3A_66 = arith.constant 0 : i32
    %dma_start3A_67 = tpu.memref_slice %arg12[%add3A_63, %dma_start3A_66] : memref<10368x144xf32, #tpu.memory_space<vmem_shared>> -> memref<56x144xf32, #tpu.memory_space<vmem_shared>>
    tpu.enqueue_dma source(%arg8 : memref<56x144xf32, #tpu.memory_space<vmem>>) target(%dma_start3A_67 : memref<56x144xf32, #tpu.memory_space<vmem_shared>>) target_semaphore(%arg13 : memref<!tpu.dma_semaphore, #tpu.memory_space<semaphore_mem>>)
    %add3A_68 = arith.constant 560 : i32
    %add3A_69 = arith.addi %mul3A_8, %add3A_68 : i32
    %dma_start3A_70 = arith.constant 0 : i32
    %dma_start3A_71 = tpu.memref_slice %arg12[%add3A_69, %dma_start3A_70] : memref<10368x144xf32, #tpu.memory_space<vmem_shared>> -> memref<56x144xf32, #tpu.memory_space<vmem_shared>>
    %dma_start3A_72 = arith.constant 0 : i32
    %dma_start3A_73 = tpu.memref_slice %arg12[%add3A_69, %dma_start3A_72] : memref<10368x144xf32, #tpu.memory_space<vmem_shared>> -> memref<56x144xf32, #tpu.memory_space<vmem_shared>>
    tpu.enqueue_dma source(%arg8 : memref<56x144xf32, #tpu.memory_space<vmem>>) target(%dma_start3A_73 : memref<56x144xf32, #tpu.memory_space<vmem_shared>>) target_semaphore(%arg13 : memref<!tpu.dma_semaphore, #tpu.memory_space<semaphore_mem>>)
    %add3A_74 = arith.constant 648 : i32
    %add3A_75 = arith.addi %mul3A_8, %add3A_74 : i32
    %sub3A = arith.constant 32 : i32
    %sub3A_76 = arith.subi %add3A_75, %sub3A : i32
    %dma_start3A_77 = arith.constant 0 : i32
    %dma_start3A_78 = arith.constant 0 : i32
    %dma_start3A_79 = tpu.memref_slice %arg8[%dma_start3A_77, %dma_start3A_78] : memref<56x144xf32, #tpu.memory_space<vmem>> -> memref<32x144xf32, #tpu.memory_space<vmem>>
    %dma_start3A_80 = arith.constant 0 : i32
    %dma_start3A_81 = tpu.memref_slice %arg12[%sub3A_76, %dma_start3A_80] : memref<10368x144xf32, #tpu.memory_space<vmem_shared>> -> memref<32x144xf32, #tpu.memory_space<vmem_shared>>
    %dma_start3A_82 = arith.constant 0 : i32
    %dma_start3A_83 = tpu.memref_slice %arg12[%sub3A_76, %dma_start3A_82] : memref<10368x144xf32, #tpu.memory_space<vmem_shared>> -> memref<32x144xf32, #tpu.memory_space<vmem_shared>>
    %dma_start3A_84 = arith.constant 0 : i32
    %dma_start3A_85 = arith.constant 0 : i32
    %dma_start3A_86 = tpu.memref_slice %arg8[%dma_start3A_84, %dma_start3A_85] : memref<56x144xf32, #tpu.memory_space<vmem>> -> memref<32x144xf32, #tpu.memory_space<vmem>>
    tpu.enqueue_dma source(%dma_start3A_86 : memref<32x144xf32, #tpu.memory_space<vmem>>) target(%dma_start3A_83 : memref<32x144xf32, #tpu.memory_space<vmem_shared>>) target_semaphore(%arg13 : memref<!tpu.dma_semaphore, #tpu.memory_space<semaphore_mem>>)
    %dma_wait3A = arith.constant 0 : i32
    %dma_wait3A_87 = tpu.memref_slice %arg12[%mul3A_8, %dma_wait3A] : memref<10368x144xf32, #tpu.memory_space<vmem_shared>> -> memref<56x144xf32, #tpu.memory_space<vmem_shared>>
    %dma_wait3A_88 = arith.constant 0 : i32
    %dma_wait3A_89 = tpu.memref_slice %arg12[%mul3A_8, %dma_wait3A_88] : memref<10368x144xf32, #tpu.memory_space<vmem_shared>> -> memref<56x144xf32, #tpu.memory_space<vmem_shared>>
    tpu.wait_dma2 semaphore(%arg13 : memref<!tpu.dma_semaphore, #tpu.memory_space<semaphore_mem>>) src(%arg8 : memref<56x144xf32, #tpu.memory_space<vmem>>) dst(%dma_wait3A_89 : memref<56x144xf32, #tpu.memory_space<vmem_shared>>)
    %dma_wait3A_90 = arith.constant 0 : i32
    %dma_wait3A_91 = tpu.memref_slice %arg12[%mul3A_8, %dma_wait3A_90] : memref<10368x144xf32, #tpu.memory_space<vmem_shared>> -> memref<56x144xf32, #tpu.memory_space<vmem_shared>>
    %dma_wait3A_92 = arith.constant 0 : i32
    %dma_wait3A_93 = tpu.memref_slice %arg12[%mul3A_8, %dma_wait3A_92] : memref<10368x144xf32, #tpu.memory_space<vmem_shared>> -> memref<56x144xf32, #tpu.memory_space<vmem_shared>>
    tpu.wait_dma2 semaphore(%arg13 : memref<!tpu.dma_semaphore, #tpu.memory_space<semaphore_mem>>) src(%arg8 : memref<56x144xf32, #tpu.memory_space<vmem>>) dst(%dma_wait3A_93 : memref<56x144xf32, #tpu.memory_space<vmem_shared>>)
    %dma_wait3A_94 = arith.constant 0 : i32
    %dma_wait3A_95 = tpu.memref_slice %arg12[%mul3A_8, %dma_wait3A_94] : memref<10368x144xf32, #tpu.memory_space<vmem_shared>> -> memref<56x144xf32, #tpu.memory_space<vmem_shared>>
    %dma_wait3A_96 = arith.constant 0 : i32
    %dma_wait3A_97 = tpu.memref_slice %arg12[%mul3A_8, %dma_wait3A_96] : memref<10368x144xf32, #tpu.memory_space<vmem_shared>> -> memref<56x144xf32, #tpu.memory_space<vmem_shared>>
    tpu.wait_dma2 semaphore(%arg13 : memref<!tpu.dma_semaphore, #tpu.memory_space<semaphore_mem>>) src(%arg8 : memref<56x144xf32, #tpu.memory_space<vmem>>) dst(%dma_wait3A_97 : memref<56x144xf32, #tpu.memory_space<vmem_shared>>)
    %dma_wait3A_98 = arith.constant 0 : i32
    %dma_wait3A_99 = tpu.memref_slice %arg12[%mul3A_8, %dma_wait3A_98] : memref<10368x144xf32, #tpu.memory_space<vmem_shared>> -> memref<56x144xf32, #tpu.memory_space<vmem_shared>>
    %dma_wait3A_100 = arith.constant 0 : i32
    %dma_wait3A_101 = tpu.memref_slice %arg12[%mul3A_8, %dma_wait3A_100] : memref<10368x144xf32, #tpu.memory_space<vmem_shared>> -> memref<56x144xf32, #tpu.memory_space<vmem_shared>>
    tpu.wait_dma2 semaphore(%arg13 : memref<!tpu.dma_semaphore, #tpu.memory_space<semaphore_mem>>) src(%arg8 : memref<56x144xf32, #tpu.memory_space<vmem>>) dst(%dma_wait3A_101 : memref<56x144xf32, #tpu.memory_space<vmem_shared>>)
    %dma_wait3A_102 = arith.constant 0 : i32
    %dma_wait3A_103 = tpu.memref_slice %arg12[%mul3A_8, %dma_wait3A_102] : memref<10368x144xf32, #tpu.memory_space<vmem_shared>> -> memref<56x144xf32, #tpu.memory_space<vmem_shared>>
    %dma_wait3A_104 = arith.constant 0 : i32
    %dma_wait3A_105 = tpu.memref_slice %arg12[%mul3A_8, %dma_wait3A_104] : memref<10368x144xf32, #tpu.memory_space<vmem_shared>> -> memref<56x144xf32, #tpu.memory_space<vmem_shared>>
    tpu.wait_dma2 semaphore(%arg13 : memref<!tpu.dma_semaphore, #tpu.memory_space<semaphore_mem>>) src(%arg8 : memref<56x144xf32, #tpu.memory_space<vmem>>) dst(%dma_wait3A_105 : memref<56x144xf32, #tpu.memory_space<vmem_shared>>)
    %dma_wait3A_106 = arith.constant 0 : i32
    %dma_wait3A_107 = tpu.memref_slice %arg12[%mul3A_8, %dma_wait3A_106] : memref<10368x144xf32, #tpu.memory_space<vmem_shared>> -> memref<56x144xf32, #tpu.memory_space<vmem_shared>>
    %dma_wait3A_108 = arith.constant 0 : i32
    %dma_wait3A_109 = tpu.memref_slice %arg12[%mul3A_8, %dma_wait3A_108] : memref<10368x144xf32, #tpu.memory_space<vmem_shared>> -> memref<56x144xf32, #tpu.memory_space<vmem_shared>>
    tpu.wait_dma2 semaphore(%arg13 : memref<!tpu.dma_semaphore, #tpu.memory_space<semaphore_mem>>) src(%arg8 : memref<56x144xf32, #tpu.memory_space<vmem>>) dst(%dma_wait3A_109 : memref<56x144xf32, #tpu.memory_space<vmem_shared>>)
    %dma_wait3A_110 = arith.constant 0 : i32
    %dma_wait3A_111 = tpu.memref_slice %arg12[%mul3A_8, %dma_wait3A_110] : memref<10368x144xf32, #tpu.memory_space<vmem_shared>> -> memref<56x144xf32, #tpu.memory_space<vmem_shared>>
    %dma_wait3A_112 = arith.constant 0 : i32
    %dma_wait3A_113 = tpu.memref_slice %arg12[%mul3A_8, %dma_wait3A_112] : memref<10368x144xf32, #tpu.memory_space<vmem_shared>> -> memref<56x144xf32, #tpu.memory_space<vmem_shared>>
    tpu.wait_dma2 semaphore(%arg13 : memref<!tpu.dma_semaphore, #tpu.memory_space<semaphore_mem>>) src(%arg8 : memref<56x144xf32, #tpu.memory_space<vmem>>) dst(%dma_wait3A_113 : memref<56x144xf32, #tpu.memory_space<vmem_shared>>)
    %dma_wait3A_114 = arith.constant 0 : i32
    %dma_wait3A_115 = tpu.memref_slice %arg12[%mul3A_8, %dma_wait3A_114] : memref<10368x144xf32, #tpu.memory_space<vmem_shared>> -> memref<56x144xf32, #tpu.memory_space<vmem_shared>>
    %dma_wait3A_116 = arith.constant 0 : i32
    %dma_wait3A_117 = tpu.memref_slice %arg12[%mul3A_8, %dma_wait3A_116] : memref<10368x144xf32, #tpu.memory_space<vmem_shared>> -> memref<56x144xf32, #tpu.memory_space<vmem_shared>>
    tpu.wait_dma2 semaphore(%arg13 : memref<!tpu.dma_semaphore, #tpu.memory_space<semaphore_mem>>) src(%arg8 : memref<56x144xf32, #tpu.memory_space<vmem>>) dst(%dma_wait3A_117 : memref<56x144xf32, #tpu.memory_space<vmem_shared>>)
    %dma_wait3A_118 = arith.constant 0 : i32
    %dma_wait3A_119 = tpu.memref_slice %arg12[%mul3A_8, %dma_wait3A_118] : memref<10368x144xf32, #tpu.memory_space<vmem_shared>> -> memref<56x144xf32, #tpu.memory_space<vmem_shared>>
    %dma_wait3A_120 = arith.constant 0 : i32
    %dma_wait3A_121 = tpu.memref_slice %arg12[%mul3A_8, %dma_wait3A_120] : memref<10368x144xf32, #tpu.memory_space<vmem_shared>> -> memref<56x144xf32, #tpu.memory_space<vmem_shared>>
    tpu.wait_dma2 semaphore(%arg13 : memref<!tpu.dma_semaphore, #tpu.memory_space<semaphore_mem>>) src(%arg8 : memref<56x144xf32, #tpu.memory_space<vmem>>) dst(%dma_wait3A_121 : memref<56x144xf32, #tpu.memory_space<vmem_shared>>)
    %dma_wait3A_122 = arith.constant 0 : i32
    %dma_wait3A_123 = tpu.memref_slice %arg12[%mul3A_8, %dma_wait3A_122] : memref<10368x144xf32, #tpu.memory_space<vmem_shared>> -> memref<56x144xf32, #tpu.memory_space<vmem_shared>>
    %dma_wait3A_124 = arith.constant 0 : i32
    %dma_wait3A_125 = tpu.memref_slice %arg12[%mul3A_8, %dma_wait3A_124] : memref<10368x144xf32, #tpu.memory_space<vmem_shared>> -> memref<56x144xf32, #tpu.memory_space<vmem_shared>>
    tpu.wait_dma2 semaphore(%arg13 : memref<!tpu.dma_semaphore, #tpu.memory_space<semaphore_mem>>) src(%arg8 : memref<56x144xf32, #tpu.memory_space<vmem>>) dst(%dma_wait3A_125 : memref<56x144xf32, #tpu.memory_space<vmem_shared>>)
    %dma_wait3A_126 = arith.constant 0 : i32
    %dma_wait3A_127 = tpu.memref_slice %arg12[%mul3A_8, %dma_wait3A_126] : memref<10368x144xf32, #tpu.memory_space<vmem_shared>> -> memref<56x144xf32, #tpu.memory_space<vmem_shared>>
    %dma_wait3A_128 = arith.constant 0 : i32
    %dma_wait3A_129 = tpu.memref_slice %arg12[%mul3A_8, %dma_wait3A_128] : memref<10368x144xf32, #tpu.memory_space<vmem_shared>> -> memref<56x144xf32, #tpu.memory_space<vmem_shared>>
    tpu.wait_dma2 semaphore(%arg13 : memref<!tpu.dma_semaphore, #tpu.memory_space<semaphore_mem>>) src(%arg8 : memref<56x144xf32, #tpu.memory_space<vmem>>) dst(%dma_wait3A_129 : memref<56x144xf32, #tpu.memory_space<vmem_shared>>)
    %dma_wait3A_130 = arith.constant 0 : i32
    %dma_wait3A_131 = arith.constant 0 : i32
    %dma_wait3A_132 = tpu.memref_slice %arg8[%dma_wait3A_130, %dma_wait3A_131] : memref<56x144xf32, #tpu.memory_space<vmem>> -> memref<32x144xf32, #tpu.memory_space<vmem>>
    %dma_wait3A_133 = arith.constant 0 : i32
    %dma_wait3A_134 = tpu.memref_slice %arg12[%mul3A_8, %dma_wait3A_133] : memref<10368x144xf32, #tpu.memory_space<vmem_shared>> -> memref<32x144xf32, #tpu.memory_space<vmem_shared>>
    %dma_wait3A_135 = arith.constant 0 : i32
    %dma_wait3A_136 = tpu.memref_slice %arg12[%mul3A_8, %dma_wait3A_135] : memref<10368x144xf32, #tpu.memory_space<vmem_shared>> -> memref<32x144xf32, #tpu.memory_space<vmem_shared>>
    %dma_wait3A_137 = arith.constant 0 : i32
    %dma_wait3A_138 = arith.constant 0 : i32
    %dma_wait3A_139 = tpu.memref_slice %arg8[%dma_wait3A_137, %dma_wait3A_138] : memref<56x144xf32, #tpu.memory_space<vmem>> -> memref<32x144xf32, #tpu.memory_space<vmem>>
    tpu.wait_dma2 semaphore(%arg13 : memref<!tpu.dma_semaphore, #tpu.memory_space<semaphore_mem>>) src(%dma_wait3A_139 : memref<32x144xf32, #tpu.memory_space<vmem>>) dst(%dma_wait3A_136 : memref<32x144xf32, #tpu.memory_space<vmem_shared>>)
    %barrier3A = arith.constant 0 : index
    tpu.barrier barrier_id(%barrier3A)
    %eq3A = arith.constant 0 : i32
    %eq3A_140 = arith.cmpi eq, %arg0, %eq3A : i32
    %mul3A_141 = arith.constant 8 : i32
    %mul3A_142 = arith.muli %arg1, %mul3A_141 : i32
    %mul3A_143 = arith.constant 2 : i32
    %mul3A_144 = arith.muli %arg1, %mul3A_143 : i32
    %add3A_145 = arith.constant 128 : i32
    %add3A_146 = arith.addi %add3A_145, %mul3A_144 : i32
    %select_n3A = arith.select %eq3A_140, %mul3A_142, %add3A_146 : i32
    %eq3A_147 = arith.constant 0 : i32
    %eq3A_148 = arith.cmpi eq, %arg0, %eq3A_147 : i32
    %jit3A = arith.constant 8 : i32
    %jit3A_149 = arith.constant 2 : i32
    %select_n3A_150 = arith.select %eq3A_148, %jit3A, %jit3A_149 : i32
    %while3A = arith.constant 0 : i32
    %while3A_151 = arith.constant 0 : i32
    %while3A_152 = arith.subi %select_n3A_150, %while3A_151 : i32
    %while3A_153 = arith.addi %while3A_151, %while3A_152 : i32
    %while3A_154 = arith.constant 1 : i32
    %while3A_155 = arith.divsi %while3A_152, %while3A_154 : i32
    %while3A_156 = arith.muli %while3A_155, %while3A_154 : i32
    %while3A_157 = arith.addi %while3A_151, %while3A_156 : i32
    %while3A_158 = arith.constant 1 : i32
    scf.for %while3A_171 = %while3A_151 to %while3A_157 step %while3A_158  : i32 {
      %add3A_172 = arith.addi %select_n3A, %while3A_171 : i32
      %mul3A_173 = arith.constant 36 : i32
      %mul3A_174 = arith.muli %add3A_172, %mul3A_173 : i32
      %run_scoped3A = arith.constant 0 : i32
      "tpu.region"() ({
        %run_scoped3A_224 = tpu.sem_alloc : memref<!tpu.dma_semaphore, #tpu.memory_space<semaphore_mem>>
        %dma_start3A_225 = arith.constant 0 : i32
        %dma_start3A_226 = tpu.memref_slice %arg3[%run_scoped3A, %mul3A_174, %dma_start3A_225] : memref<2x5760x56xi32, #tpu.memory_space<hbm>> -> memref<1x36x56xi32, #tpu.memory_space<hbm>>
        %dma_start3A_227 = tpu.memref_squeeze %dma_start3A_226 : memref<1x36x56xi32, #tpu.memory_space<hbm>> -> memref<36x56xi32, #tpu.memory_space<hbm>>
        %dma_start3A_228 = arith.constant 0 : i32
        %dma_start3A_229 = tpu.memref_slice %arg3[%run_scoped3A, %mul3A_174, %dma_start3A_228] : memref<2x5760x56xi32, #tpu.memory_space<hbm>> -> memref<1x36x56xi32, #tpu.memory_space<hbm>>
        %dma_start3A_230 = tpu.memref_squeeze %dma_start3A_229 : memref<1x36x56xi32, #tpu.memory_space<hbm>> -> memref<36x56xi32, #tpu.memory_space<hbm>>
        tpu.enqueue_dma source(%dma_start3A_230 : memref<36x56xi32, #tpu.memory_space<hbm>>) target(%arg6 : memref<36x56xi32, #tpu.memory_space<vmem>>) target_semaphore(%run_scoped3A_224 : memref<!tpu.dma_semaphore, #tpu.memory_space<semaphore_mem>>)
        %dma_wait3A_231 = arith.constant 0 : i32
        %dma_wait3A_232 = tpu.memref_slice %arg3[%run_scoped3A, %mul3A_174, %dma_wait3A_231] : memref<2x5760x56xi32, #tpu.memory_space<hbm>> -> memref<1x36x56xi32, #tpu.memory_space<hbm>>
        %dma_wait3A_233 = tpu.memref_squeeze %dma_wait3A_232 : memref<1x36x56xi32, #tpu.memory_space<hbm>> -> memref<36x56xi32, #tpu.memory_space<hbm>>
        %dma_wait3A_234 = arith.constant 0 : i32
        %dma_wait3A_235 = tpu.memref_slice %arg3[%run_scoped3A, %mul3A_174, %dma_wait3A_234] : memref<2x5760x56xi32, #tpu.memory_space<hbm>> -> memref<1x36x56xi32, #tpu.memory_space<hbm>>
        %dma_wait3A_236 = tpu.memref_squeeze %dma_wait3A_235 : memref<1x36x56xi32, #tpu.memory_space<hbm>> -> memref<36x56xi32, #tpu.memory_space<hbm>>
        tpu.wait_dma2 semaphore(%run_scoped3A_224 : memref<!tpu.dma_semaphore, #tpu.memory_space<semaphore_mem>>) src(%dma_wait3A_236 : memref<36x56xi32, #tpu.memory_space<hbm>>) dst(%arg6 : memref<36x56xi32, #tpu.memory_space<vmem>>)
        tpu.yield
      }) : () -> ()
      %run_scoped3A_175 = arith.constant 1 : i32
      "tpu.region"() ({
        %run_scoped3A_224 = tpu.sem_alloc : memref<!tpu.dma_semaphore, #tpu.memory_space<semaphore_mem>>
        %dma_start3A_225 = arith.constant 0 : i32
        %dma_start3A_226 = tpu.memref_slice %arg3[%run_scoped3A_175, %mul3A_174, %dma_start3A_225] : memref<2x5760x56xi32, #tpu.memory_space<hbm>> -> memref<1x36x56xi32, #tpu.memory_space<hbm>>
        %dma_start3A_227 = tpu.memref_squeeze %dma_start3A_226 : memref<1x36x56xi32, #tpu.memory_space<hbm>> -> memref<36x56xi32, #tpu.memory_space<hbm>>
        %dma_start3A_228 = arith.constant 0 : i32
        %dma_start3A_229 = tpu.memref_slice %arg3[%run_scoped3A_175, %mul3A_174, %dma_start3A_228] : memref<2x5760x56xi32, #tpu.memory_space<hbm>> -> memref<1x36x56xi32, #tpu.memory_space<hbm>>
        %dma_start3A_230 = tpu.memref_squeeze %dma_start3A_229 : memref<1x36x56xi32, #tpu.memory_space<hbm>> -> memref<36x56xi32, #tpu.memory_space<hbm>>
        tpu.enqueue_dma source(%dma_start3A_230 : memref<36x56xi32, #tpu.memory_space<hbm>>) target(%arg7 : memref<36x56xi32, #tpu.memory_space<vmem>>) target_semaphore(%run_scoped3A_224 : memref<!tpu.dma_semaphore, #tpu.memory_space<semaphore_mem>>)
        %dma_wait3A_231 = arith.constant 0 : i32
        %dma_wait3A_232 = tpu.memref_slice %arg3[%run_scoped3A_175, %mul3A_174, %dma_wait3A_231] : memref<2x5760x56xi32, #tpu.memory_space<hbm>> -> memref<1x36x56xi32, #tpu.memory_space<hbm>>
        %dma_wait3A_233 = tpu.memref_squeeze %dma_wait3A_232 : memref<1x36x56xi32, #tpu.memory_space<hbm>> -> memref<36x56xi32, #tpu.memory_space<hbm>>
        %dma_wait3A_234 = arith.constant 0 : i32
        %dma_wait3A_235 = tpu.memref_slice %arg3[%run_scoped3A_175, %mul3A_174, %dma_wait3A_234] : memref<2x5760x56xi32, #tpu.memory_space<hbm>> -> memref<1x36x56xi32, #tpu.memory_space<hbm>>
        %dma_wait3A_236 = tpu.memref_squeeze %dma_wait3A_235 : memref<1x36x56xi32, #tpu.memory_space<hbm>> -> memref<36x56xi32, #tpu.memory_space<hbm>>
        tpu.wait_dma2 semaphore(%run_scoped3A_224 : memref<!tpu.dma_semaphore, #tpu.memory_space<semaphore_mem>>) src(%dma_wait3A_236 : memref<36x56xi32, #tpu.memory_space<hbm>>) dst(%arg7 : memref<36x56xi32, #tpu.memory_space<vmem>>)
        tpu.yield
      }) : () -> ()
      %dma_start3A_176 = arith.constant 0 : i32
      %dma_start3A_177 = arith.constant 0 : i32
      %dma_start3A_178 = tpu.memref_slice %arg6[%dma_start3A_176, %dma_start3A_177] : memref<36x56xi32, #tpu.memory_space<vmem>> -> memref<1x56xi32, #tpu.memory_space<vmem>>
      %dma_start3A_179 = tpu.memref_squeeze %dma_start3A_178 : memref<1x56xi32, #tpu.memory_space<vmem>> -> memref<56xi32, #tpu.memory_space<vmem>>
      %dma_start3A_180 = arith.constant 0 : i32
      %dma_start3A_181 = arith.constant 0 : i32
      %dma_start3A_182 = tpu.memref_slice %arg2[%dma_start3A_180, %dma_start3A_181] : memref<10000x144xf32, #tpu.memory_space<hbm>> -> memref<10000x144xf32, #tpu.memory_space<hbm>>
      tpu.enqueue_indirect_dma source(%dma_start3A_182 : memref<10000x144xf32, #tpu.memory_space<hbm>>) target(%arg8 : memref<56x144xf32, #tpu.memory_space<vmem>>) offsets(%dma_start3A_179 : memref<56xi32, #tpu.memory_space<vmem>>) semaphore(%arg13 : memref<!tpu.dma_semaphore, #tpu.memory_space<semaphore_mem>>)
      %dma_start3A_183 = arith.constant 1 : i32
      %dma_start3A_184 = arith.constant 0 : i32
      %dma_start3A_185 = tpu.memref_slice %arg6[%dma_start3A_183, %dma_start3A_184] : memref<36x56xi32, #tpu.memory_space<vmem>> -> memref<1x56xi32, #tpu.memory_space<vmem>>
      %dma_start3A_186 = tpu.memref_squeeze %dma_start3A_185 : memref<1x56xi32, #tpu.memory_space<vmem>> -> memref<56xi32, #tpu.memory_space<vmem>>
      %dma_start3A_187 = arith.constant 0 : i32
      %dma_start3A_188 = arith.constant 0 : i32
      %dma_start3A_189 = tpu.memref_slice %arg2[%dma_start3A_187, %dma_start3A_188] : memref<10000x144xf32, #tpu.memory_space<hbm>> -> memref<10000x144xf32, #tpu.memory_space<hbm>>
      tpu.enqueue_indirect_dma source(%dma_start3A_189 : memref<10000x144xf32, #tpu.memory_space<hbm>>) target(%arg9 : memref<56x144xf32, #tpu.memory_space<vmem>>) offsets(%dma_start3A_186 : memref<56xi32, #tpu.memory_space<vmem>>) semaphore(%arg13 : memref<!tpu.dma_semaphore, #tpu.memory_space<semaphore_mem>>)
      %dma_start3A_190 = arith.constant 2 : i32
      %dma_start3A_191 = arith.constant 0 : i32
      %dma_start3A_192 = tpu.memref_slice %arg6[%dma_start3A_190, %dma_start3A_191] : memref<36x56xi32, #tpu.memory_space<vmem>> -> memref<1x56xi32, #tpu.memory_space<vmem>>
      %dma_start3A_193 = tpu.memref_squeeze %dma_start3A_192 : memref<1x56xi32, #tpu.memory_space<vmem>> -> memref<56xi32, #tpu.memory_space<vmem>>
      %dma_start3A_194 = arith.constant 0 : i32
      %dma_start3A_195 = arith.constant 0 : i32
      %dma_start3A_196 = tpu.memref_slice %arg2[%dma_start3A_194, %dma_start3A_195] : memref<10000x144xf32, #tpu.memory_space<hbm>> -> memref<10000x144xf32, #tpu.memory_space<hbm>>
      tpu.enqueue_indirect_dma source(%dma_start3A_196 : memref<10000x144xf32, #tpu.memory_space<hbm>>) target(%arg10 : memref<56x144xf32, #tpu.memory_space<vmem>>) offsets(%dma_start3A_193 : memref<56xi32, #tpu.memory_space<vmem>>) semaphore(%arg13 : memref<!tpu.dma_semaphore, #tpu.memory_space<semaphore_mem>>)
      %dma_start3A_197 = arith.constant 3 : i32
      %dma_start3A_198 = arith.constant 0 : i32
      %dma_start3A_199 = tpu.memref_slice %arg6[%dma_start3A_197, %dma_start3A_198] : memref<36x56xi32, #tpu.memory_space<vmem>> -> memref<1x56xi32, #tpu.memory_space<vmem>>
      %dma_start3A_200 = tpu.memref_squeeze %dma_start3A_199 : memref<1x56xi32, #tpu.memory_space<vmem>> -> memref<56xi32, #tpu.memory_space<vmem>>
      %dma_start3A_201 = arith.constant 0 : i32
      %dma_start3A_202 = arith.constant 0 : i32
      %dma_start3A_203 = tpu.memref_slice %arg2[%dma_start3A_201, %dma_start3A_202] : memref<10000x144xf32, #tpu.memory_space<hbm>> -> memref<10000x144xf32, #tpu.memory_space<hbm>>
      tpu.enqueue_indirect_dma source(%dma_start3A_203 : memref<10000x144xf32, #tpu.memory_space<hbm>>) target(%arg11 : memref<56x144xf32, #tpu.memory_space<vmem>>) offsets(%dma_start3A_200 : memref<56xi32, #tpu.memory_space<vmem>>) semaphore(%arg13 : memref<!tpu.dma_semaphore, #tpu.memory_space<semaphore_mem>>)
      %scan3A_204 = arith.constant 0 : i32
      %scan3A_205 = arith.constant 0 : i32
      %scan3A_206 = arith.constant 9 : i32
      %scan3A_207 = arith.addi %scan3A_205, %scan3A_206 : i32
      %scan3A_208 = arith.constant 1 : i32
      scf.for %scan3A_224 = %scan3A_205 to %scan3A_207 step %scan3A_208  : i32 {
        %mul3A_225 = arith.constant 4 : i32
        %mul3A_226 = arith.muli %mul3A_225, %scan3A_224 : i32
        %add3A_227 = arith.constant 0 : i32
        %add3A_228 = arith.addi %mul3A_226, %add3A_227 : i32
        %dma_wait3A_229 = arith.constant 0 : i32
        %dma_wait3A_230 = arith.constant 0 : i32
        %dma_wait3A_231 = tpu.memref_slice %arg6[%dma_wait3A_229, %dma_wait3A_230] : memref<36x56xi32, #tpu.memory_space<vmem>> -> memref<1x56xi32, #tpu.memory_space<vmem>>
        %dma_wait3A_232 = tpu.memref_squeeze %dma_wait3A_231 : memref<1x56xi32, #tpu.memory_space<vmem>> -> memref<56xi32, #tpu.memory_space<vmem>>
        %dma_wait3A_233 = arith.constant 0 : i32
        %dma_wait3A_234 = arith.constant 0 : i32
        %dma_wait3A_235 = tpu.memref_slice %arg2[%dma_wait3A_233, %dma_wait3A_234] : memref<10000x144xf32, #tpu.memory_space<hbm>> -> memref<10000x144xf32, #tpu.memory_space<hbm>>
        tpu.wait_indirect_dma semaphore(%arg13 : memref<!tpu.dma_semaphore, #tpu.memory_space<semaphore_mem>>) src(%dma_wait3A_235 : memref<10000x144xf32, #tpu.memory_space<hbm>>) dst(%arg8 : memref<56x144xf32, #tpu.memory_space<vmem>>)
        %gt3A = arith.constant 0 : i32
        %gt3A_236 = arith.cmpi sgt, %scan3A_224, %gt3A : i32
        %convert_element_type3A_237 = arith.extui %gt3A_236 : i1 to i32
        %cond3A_238 = arith.constant 0 : i32
        %cond3A_239 = arith.cmpi ne, %convert_element_type3A_237, %cond3A_238 : i32
        scf.if %cond3A_239 {
          %dma_wait3A_325 = arith.constant 0 : i32
          %dma_wait3A_326 = arith.constant 0 : i32
          %dma_wait3A_327 = tpu.memref_slice %arg7[%dma_wait3A_325, %dma_wait3A_326] : memref<36x56xi32, #tpu.memory_space<vmem>> -> memref<1x56xi32, #tpu.memory_space<vmem>>
          %dma_wait3A_328 = tpu.memref_squeeze %dma_wait3A_327 : memref<1x56xi32, #tpu.memory_space<vmem>> -> memref<56xi32, #tpu.memory_space<vmem>>
          %dma_wait3A_329 = arith.constant 0 : i32
          %dma_wait3A_330 = arith.constant 0 : i32
          %dma_wait3A_331 = tpu.memref_slice %arg12[%dma_wait3A_329, %dma_wait3A_330] : memref<10368x144xf32, #tpu.memory_space<vmem_shared>> -> memref<10368x144xf32, #tpu.memory_space<vmem_shared>>
          tpu.wait_indirect_dma semaphore(%arg14 : memref<!tpu.dma_semaphore, #tpu.memory_space<semaphore_mem>>) src(%arg8 : memref<56x144xf32, #tpu.memory_space<vmem>>) dst(%dma_wait3A_331 : memref<10368x144xf32, #tpu.memory_space<vmem_shared>>)
          %add3A_332 = arith.constant 2 : i32
          %add3A_333 = arith.addi %add3A_228, %add3A_332 : i32
          %dma_start3A_334 = arith.constant 0 : i32
          %dma_start3A_335 = tpu.memref_slice %arg6[%add3A_333, %dma_start3A_334] : memref<36x56xi32, #tpu.memory_space<vmem>> -> memref<1x56xi32, #tpu.memory_space<vmem>>
          %dma_start3A_336 = tpu.memref_squeeze %dma_start3A_335 : memref<1x56xi32, #tpu.memory_space<vmem>> -> memref<56xi32, #tpu.memory_space<vmem>>
          %dma_start3A_337 = arith.constant 0 : i32
          %dma_start3A_338 = arith.constant 0 : i32
          %dma_start3A_339 = tpu.memref_slice %arg2[%dma_start3A_337, %dma_start3A_338] : memref<10000x144xf32, #tpu.memory_space<hbm>> -> memref<10000x144xf32, #tpu.memory_space<hbm>>
          tpu.enqueue_indirect_dma source(%dma_start3A_339 : memref<10000x144xf32, #tpu.memory_space<hbm>>) target(%arg10 : memref<56x144xf32, #tpu.memory_space<vmem>>) offsets(%dma_start3A_336 : memref<56xi32, #tpu.memory_space<vmem>>) semaphore(%arg13 : memref<!tpu.dma_semaphore, #tpu.memory_space<semaphore_mem>>)
        } else {
        }
        %dma_start3A_240 = arith.constant 0 : i32
        %dma_start3A_241 = tpu.memref_slice %arg7[%add3A_228, %dma_start3A_240] : memref<36x56xi32, #tpu.memory_space<vmem>> -> memref<1x56xi32, #tpu.memory_space<vmem>>
        %dma_start3A_242 = tpu.memref_squeeze %dma_start3A_241 : memref<1x56xi32, #tpu.memory_space<vmem>> -> memref<56xi32, #tpu.memory_space<vmem>>
        %dma_start3A_243 = arith.constant 0 : i32
        %dma_start3A_244 = arith.constant 0 : i32
        %dma_start3A_245 = tpu.memref_slice %arg12[%dma_start3A_243, %dma_start3A_244] : memref<10368x144xf32, #tpu.memory_space<vmem_shared>> -> memref<10368x144xf32, #tpu.memory_space<vmem_shared>>
        tpu.enqueue_indirect_dma source(%arg8 : memref<56x144xf32, #tpu.memory_space<vmem>>) target(%dma_start3A_245 : memref<10368x144xf32, #tpu.memory_space<vmem_shared>>) offsets(%dma_start3A_242 : memref<56xi32, #tpu.memory_space<vmem>>) semaphore(%arg14 : memref<!tpu.dma_semaphore, #tpu.memory_space<semaphore_mem>>) {add = true}
        %mul3A_246 = arith.constant 4 : i32
        %mul3A_247 = arith.muli %mul3A_246, %scan3A_224 : i32
        %add3A_248 = arith.constant 1 : i32
        %add3A_249 = arith.addi %mul3A_247, %add3A_248 : i32
        %dma_wait3A_250 = arith.constant 0 : i32
        %dma_wait3A_251 = arith.constant 0 : i32
        %dma_wait3A_252 = tpu.memref_slice %arg6[%dma_wait3A_250, %dma_wait3A_251] : memref<36x56xi32, #tpu.memory_space<vmem>> -> memref<1x56xi32, #tpu.memory_space<vmem>>
        %dma_wait3A_253 = tpu.memref_squeeze %dma_wait3A_252 : memref<1x56xi32, #tpu.memory_space<vmem>> -> memref<56xi32, #tpu.memory_space<vmem>>
        %dma_wait3A_254 = arith.constant 0 : i32
        %dma_wait3A_255 = arith.constant 0 : i32
        %dma_wait3A_256 = tpu.memref_slice %arg2[%dma_wait3A_254, %dma_wait3A_255] : memref<10000x144xf32, #tpu.memory_space<hbm>> -> memref<10000x144xf32, #tpu.memory_space<hbm>>
        tpu.wait_indirect_dma semaphore(%arg13 : memref<!tpu.dma_semaphore, #tpu.memory_space<semaphore_mem>>) src(%dma_wait3A_256 : memref<10000x144xf32, #tpu.memory_space<hbm>>) dst(%arg8 : memref<56x144xf32, #tpu.memory_space<vmem>>)
        %gt3A_257 = arith.constant 0 : i32
        %gt3A_258 = arith.cmpi sgt, %scan3A_224, %gt3A_257 : i32
        %convert_element_type3A_259 = arith.extui %gt3A_258 : i1 to i32
        %cond3A_260 = arith.constant 0 : i32
        %cond3A_261 = arith.cmpi ne, %convert_element_type3A_259, %cond3A_260 : i32
        scf.if %cond3A_261 {
          %dma_wait3A_325 = arith.constant 0 : i32
          %dma_wait3A_326 = arith.constant 0 : i32
          %dma_wait3A_327 = tpu.memref_slice %arg7[%dma_wait3A_325, %dma_wait3A_326] : memref<36x56xi32, #tpu.memory_space<vmem>> -> memref<1x56xi32, #tpu.memory_space<vmem>>
          %dma_wait3A_328 = tpu.memref_squeeze %dma_wait3A_327 : memref<1x56xi32, #tpu.memory_space<vmem>> -> memref<56xi32, #tpu.memory_space<vmem>>
          %dma_wait3A_329 = arith.constant 0 : i32
          %dma_wait3A_330 = arith.constant 0 : i32
          %dma_wait3A_331 = tpu.memref_slice %arg12[%dma_wait3A_329, %dma_wait3A_330] : memref<10368x144xf32, #tpu.memory_space<vmem_shared>> -> memref<10368x144xf32, #tpu.memory_space<vmem_shared>>
          tpu.wait_indirect_dma semaphore(%arg14 : memref<!tpu.dma_semaphore, #tpu.memory_space<semaphore_mem>>) src(%arg8 : memref<56x144xf32, #tpu.memory_space<vmem>>) dst(%dma_wait3A_331 : memref<10368x144xf32, #tpu.memory_space<vmem_shared>>)
          %add3A_332 = arith.constant 2 : i32
          %add3A_333 = arith.addi %add3A_249, %add3A_332 : i32
          %dma_start3A_334 = arith.constant 0 : i32
          %dma_start3A_335 = tpu.memref_slice %arg6[%add3A_333, %dma_start3A_334] : memref<36x56xi32, #tpu.memory_space<vmem>> -> memref<1x56xi32, #tpu.memory_space<vmem>>
          %dma_start3A_336 = tpu.memref_squeeze %dma_start3A_335 : memref<1x56xi32, #tpu.memory_space<vmem>> -> memref<56xi32, #tpu.memory_space<vmem>>
          %dma_start3A_337 = arith.constant 0 : i32
          %dma_start3A_338 = arith.constant 0 : i32
          %dma_start3A_339 = tpu.memref_slice %arg2[%dma_start3A_337, %dma_start3A_338] : memref<10000x144xf32, #tpu.memory_space<hbm>> -> memref<10000x144xf32, #tpu.memory_space<hbm>>
          tpu.enqueue_indirect_dma source(%dma_start3A_339 : memref<10000x144xf32, #tpu.memory_space<hbm>>) target(%arg11 : memref<56x144xf32, #tpu.memory_space<vmem>>) offsets(%dma_start3A_336 : memref<56xi32, #tpu.memory_space<vmem>>) semaphore(%arg13 : memref<!tpu.dma_semaphore, #tpu.memory_space<semaphore_mem>>)
        } else {
        }
        %dma_start3A_262 = arith.constant 0 : i32
        %dma_start3A_263 = tpu.memref_slice %arg7[%add3A_249, %dma_start3A_262] : memref<36x56xi32, #tpu.memory_space<vmem>> -> memref<1x56xi32, #tpu.memory_space<vmem>>
        %dma_start3A_264 = tpu.memref_squeeze %dma_start3A_263 : memref<1x56xi32, #tpu.memory_space<vmem>> -> memref<56xi32, #tpu.memory_space<vmem>>
        %dma_start3A_265 = arith.constant 0 : i32
        %dma_start3A_266 = arith.constant 0 : i32
        %dma_start3A_267 = tpu.memref_slice %arg12[%dma_start3A_265, %dma_start3A_266] : memref<10368x144xf32, #tpu.memory_space<vmem_shared>> -> memref<10368x144xf32, #tpu.memory_space<vmem_shared>>
        tpu.enqueue_indirect_dma source(%arg9 : memref<56x144xf32, #tpu.memory_space<vmem>>) target(%dma_start3A_267 : memref<10368x144xf32, #tpu.memory_space<vmem_shared>>) offsets(%dma_start3A_264 : memref<56xi32, #tpu.memory_space<vmem>>) semaphore(%arg14 : memref<!tpu.dma_semaphore, #tpu.memory_space<semaphore_mem>>) {add = true}
        %mul3A_268 = arith.constant 4 : i32
        %mul3A_269 = arith.muli %mul3A_268, %scan3A_224 : i32
        %add3A_270 = arith.constant 2 : i32
        %add3A_271 = arith.addi %mul3A_269, %add3A_270 : i32
        %dma_wait3A_272 = arith.constant 0 : i32
        %dma_wait3A_273 = arith.constant 0 : i32
        %dma_wait3A_274 = tpu.memref_slice %arg6[%dma_wait3A_272, %dma_wait3A_273] : memref<36x56xi32, #tpu.memory_space<vmem>> -> memref<1x56xi32, #tpu.memory_space<vmem>>
        %dma_wait3A_275 = tpu.memref_squeeze %dma_wait3A_274 : memref<1x56xi32, #tpu.memory_space<vmem>> -> memref<56xi32, #tpu.memory_space<vmem>>
        %dma_wait3A_276 = arith.constant 0 : i32
        %dma_wait3A_277 = arith.constant 0 : i32
        %dma_wait3A_278 = tpu.memref_slice %arg2[%dma_wait3A_276, %dma_wait3A_277] : memref<10000x144xf32, #tpu.memory_space<hbm>> -> memref<10000x144xf32, #tpu.memory_space<hbm>>
        tpu.wait_indirect_dma semaphore(%arg13 : memref<!tpu.dma_semaphore, #tpu.memory_space<semaphore_mem>>) src(%dma_wait3A_278 : memref<10000x144xf32, #tpu.memory_space<hbm>>) dst(%arg8 : memref<56x144xf32, #tpu.memory_space<vmem>>)
        %dma_wait3A_279 = arith.constant 0 : i32
        %dma_wait3A_280 = arith.constant 0 : i32
        %dma_wait3A_281 = tpu.memref_slice %arg7[%dma_wait3A_279, %dma_wait3A_280] : memref<36x56xi32, #tpu.memory_space<vmem>> -> memref<1x56xi32, #tpu.memory_space<vmem>>
        %dma_wait3A_282 = tpu.memref_squeeze %dma_wait3A_281 : memref<1x56xi32, #tpu.memory_space<vmem>> -> memref<56xi32, #tpu.memory_space<vmem>>
        %dma_wait3A_283 = arith.constant 0 : i32
        %dma_wait3A_284 = arith.constant 0 : i32
        %dma_wait3A_285 = tpu.memref_slice %arg12[%dma_wait3A_283, %dma_wait3A_284] : memref<10368x144xf32, #tpu.memory_space<vmem_shared>> -> memref<10368x144xf32, #tpu.memory_space<vmem_shared>>
        tpu.wait_indirect_dma semaphore(%arg14 : memref<!tpu.dma_semaphore, #tpu.memory_space<semaphore_mem>>) src(%arg8 : memref<56x144xf32, #tpu.memory_space<vmem>>) dst(%dma_wait3A_285 : memref<10368x144xf32, #tpu.memory_space<vmem_shared>>)
        %lt3A = arith.constant 8 : i32
        %lt3A_286 = arith.cmpi slt, %scan3A_224, %lt3A : i32
        %convert_element_type3A_287 = arith.extui %lt3A_286 : i1 to i32
        %cond3A_288 = arith.constant 0 : i32
        %cond3A_289 = arith.cmpi ne, %convert_element_type3A_287, %cond3A_288 : i32
        scf.if %cond3A_289 {
          %add3A_325 = arith.constant 2 : i32
          %add3A_326 = arith.addi %add3A_271, %add3A_325 : i32
          %dma_start3A_327 = arith.constant 0 : i32
          %dma_start3A_328 = tpu.memref_slice %arg6[%add3A_326, %dma_start3A_327] : memref<36x56xi32, #tpu.memory_space<vmem>> -> memref<1x56xi32, #tpu.memory_space<vmem>>
          %dma_start3A_329 = tpu.memref_squeeze %dma_start3A_328 : memref<1x56xi32, #tpu.memory_space<vmem>> -> memref<56xi32, #tpu.memory_space<vmem>>
          %dma_start3A_330 = arith.constant 0 : i32
          %dma_start3A_331 = arith.constant 0 : i32
          %dma_start3A_332 = tpu.memref_slice %arg2[%dma_start3A_330, %dma_start3A_331] : memref<10000x144xf32, #tpu.memory_space<hbm>> -> memref<10000x144xf32, #tpu.memory_space<hbm>>
          tpu.enqueue_indirect_dma source(%dma_start3A_332 : memref<10000x144xf32, #tpu.memory_space<hbm>>) target(%arg8 : memref<56x144xf32, #tpu.memory_space<vmem>>) offsets(%dma_start3A_329 : memref<56xi32, #tpu.memory_space<vmem>>) semaphore(%arg13 : memref<!tpu.dma_semaphore, #tpu.memory_space<semaphore_mem>>)
        } else {
        }
        %dma_start3A_290 = arith.constant 0 : i32
        %dma_start3A_291 = tpu.memref_slice %arg7[%add3A_271, %dma_start3A_290] : memref<36x56xi32, #tpu.memory_space<vmem>> -> memref<1x56xi32, #tpu.memory_space<vmem>>
        %dma_start3A_292 = tpu.memref_squeeze %dma_start3A_291 : memref<1x56xi32, #tpu.memory_space<vmem>> -> memref<56xi32, #tpu.memory_space<vmem>>
        %dma_start3A_293 = arith.constant 0 : i32
        %dma_start3A_294 = arith.constant 0 : i32
        %dma_start3A_295 = tpu.memref_slice %arg12[%dma_start3A_293, %dma_start3A_294] : memref<10368x144xf32, #tpu.memory_space<vmem_shared>> -> memref<10368x144xf32, #tpu.memory_space<vmem_shared>>
        tpu.enqueue_indirect_dma source(%arg10 : memref<56x144xf32, #tpu.memory_space<vmem>>) target(%dma_start3A_295 : memref<10368x144xf32, #tpu.memory_space<vmem_shared>>) offsets(%dma_start3A_292 : memref<56xi32, #tpu.memory_space<vmem>>) semaphore(%arg14 : memref<!tpu.dma_semaphore, #tpu.memory_space<semaphore_mem>>) {add = true}
        %mul3A_296 = arith.constant 4 : i32
        %mul3A_297 = arith.muli %mul3A_296, %scan3A_224 : i32
        %add3A_298 = arith.constant 3 : i32
        %add3A_299 = arith.addi %mul3A_297, %add3A_298 : i32
        %dma_wait3A_300 = arith.constant 0 : i32
        %dma_wait3A_301 = arith.constant 0 : i32
        %dma_wait3A_302 = tpu.memref_slice %arg6[%dma_wait3A_300, %dma_wait3A_301] : memref<36x56xi32, #tpu.memory_space<vmem>> -> memref<1x56xi32, #tpu.memory_space<vmem>>
        %dma_wait3A_303 = tpu.memref_squeeze %dma_wait3A_302 : memref<1x56xi32, #tpu.memory_space<vmem>> -> memref<56xi32, #tpu.memory_space<vmem>>
        %dma_wait3A_304 = arith.constant 0 : i32
        %dma_wait3A_305 = arith.constant 0 : i32
        %dma_wait3A_306 = tpu.memref_slice %arg2[%dma_wait3A_304, %dma_wait3A_305] : memref<10000x144xf32, #tpu.memory_space<hbm>> -> memref<10000x144xf32, #tpu.memory_space<hbm>>
        tpu.wait_indirect_dma semaphore(%arg13 : memref<!tpu.dma_semaphore, #tpu.memory_space<semaphore_mem>>) src(%dma_wait3A_306 : memref<10000x144xf32, #tpu.memory_space<hbm>>) dst(%arg8 : memref<56x144xf32, #tpu.memory_space<vmem>>)
        %dma_wait3A_307 = arith.constant 0 : i32
        %dma_wait3A_308 = arith.constant 0 : i32
        %dma_wait3A_309 = tpu.memref_slice %arg7[%dma_wait3A_307, %dma_wait3A_308] : memref<36x56xi32, #tpu.memory_space<vmem>> -> memref<1x56xi32, #tpu.memory_space<vmem>>
        %dma_wait3A_310 = tpu.memref_squeeze %dma_wait3A_309 : memref<1x56xi32, #tpu.memory_space<vmem>> -> memref<56xi32, #tpu.memory_space<vmem>>
        %dma_wait3A_311 = arith.constant 0 : i32
        %dma_wait3A_312 = arith.constant 0 : i32
        %dma_wait3A_313 = tpu.memref_slice %arg12[%dma_wait3A_311, %dma_wait3A_312] : memref<10368x144xf32, #tpu.memory_space<vmem_shared>> -> memref<10368x144xf32, #tpu.memory_space<vmem_shared>>
        tpu.wait_indirect_dma semaphore(%arg14 : memref<!tpu.dma_semaphore, #tpu.memory_space<semaphore_mem>>) src(%arg8 : memref<56x144xf32, #tpu.memory_space<vmem>>) dst(%dma_wait3A_313 : memref<10368x144xf32, #tpu.memory_space<vmem_shared>>)
        %lt3A_314 = arith.constant 8 : i32
        %lt3A_315 = arith.cmpi slt, %scan3A_224, %lt3A_314 : i32
        %convert_element_type3A_316 = arith.extui %lt3A_315 : i1 to i32
        %cond3A_317 = arith.constant 0 : i32
        %cond3A_318 = arith.cmpi ne, %convert_element_type3A_316, %cond3A_317 : i32
        scf.if %cond3A_318 {
          %add3A_325 = arith.constant 2 : i32
          %add3A_326 = arith.addi %add3A_299, %add3A_325 : i32
          %dma_start3A_327 = arith.constant 0 : i32
          %dma_start3A_328 = tpu.memref_slice %arg6[%add3A_326, %dma_start3A_327] : memref<36x56xi32, #tpu.memory_space<vmem>> -> memref<1x56xi32, #tpu.memory_space<vmem>>
          %dma_start3A_329 = tpu.memref_squeeze %dma_start3A_328 : memref<1x56xi32, #tpu.memory_space<vmem>> -> memref<56xi32, #tpu.memory_space<vmem>>
          %dma_start3A_330 = arith.constant 0 : i32
          %dma_start3A_331 = arith.constant 0 : i32
          %dma_start3A_332 = tpu.memref_slice %arg2[%dma_start3A_330, %dma_start3A_331] : memref<10000x144xf32, #tpu.memory_space<hbm>> -> memref<10000x144xf32, #tpu.memory_space<hbm>>
          tpu.enqueue_indirect_dma source(%dma_start3A_332 : memref<10000x144xf32, #tpu.memory_space<hbm>>) target(%arg9 : memref<56x144xf32, #tpu.memory_space<vmem>>) offsets(%dma_start3A_329 : memref<56xi32, #tpu.memory_space<vmem>>) semaphore(%arg13 : memref<!tpu.dma_semaphore, #tpu.memory_space<semaphore_mem>>)
        } else {
        }
        %dma_start3A_319 = arith.constant 0 : i32
        %dma_start3A_320 = tpu.memref_slice %arg7[%add3A_299, %dma_start3A_319] : memref<36x56xi32, #tpu.memory_space<vmem>> -> memref<1x56xi32, #tpu.memory_space<vmem>>
        %dma_start3A_321 = tpu.memref_squeeze %dma_start3A_320 : memref<1x56xi32, #tpu.memory_space<vmem>> -> memref<56xi32, #tpu.memory_space<vmem>>
        %dma_start3A_322 = arith.constant 0 : i32
        %dma_start3A_323 = arith.constant 0 : i32
        %dma_start3A_324 = tpu.memref_slice %arg12[%dma_start3A_322, %dma_start3A_323] : memref<10368x144xf32, #tpu.memory_space<vmem_shared>> -> memref<10368x144xf32, #tpu.memory_space<vmem_shared>>
        tpu.enqueue_indirect_dma source(%arg11 : memref<56x144xf32, #tpu.memory_space<vmem>>) target(%dma_start3A_324 : memref<10368x144xf32, #tpu.memory_space<vmem_shared>>) offsets(%dma_start3A_321 : memref<56xi32, #tpu.memory_space<vmem>>) semaphore(%arg14 : memref<!tpu.dma_semaphore, #tpu.memory_space<semaphore_mem>>) {add = true}
      }
      %scan3A_209 = arith.constant 9 : i32
      %dma_wait3A_210 = arith.constant 0 : i32
      %dma_wait3A_211 = arith.constant 0 : i32
      %dma_wait3A_212 = tpu.memref_slice %arg7[%dma_wait3A_210, %dma_wait3A_211] : memref<36x56xi32, #tpu.memory_space<vmem>> -> memref<1x56xi32, #tpu.memory_space<vmem>>
      %dma_wait3A_213 = tpu.memref_squeeze %dma_wait3A_212 : memref<1x56xi32, #tpu.memory_space<vmem>> -> memref<56xi32, #tpu.memory_space<vmem>>
      %dma_wait3A_214 = arith.constant 0 : i32
      %dma_wait3A_215 = arith.constant 0 : i32
      %dma_wait3A_216 = tpu.memref_slice %arg12[%dma_wait3A_214, %dma_wait3A_215] : memref<10368x144xf32, #tpu.memory_space<vmem_shared>> -> memref<10368x144xf32, #tpu.memory_space<vmem_shared>>
      tpu.wait_indirect_dma semaphore(%arg14 : memref<!tpu.dma_semaphore, #tpu.memory_space<semaphore_mem>>) src(%arg8 : memref<56x144xf32, #tpu.memory_space<vmem>>) dst(%dma_wait3A_216 : memref<10368x144xf32, #tpu.memory_space<vmem_shared>>)
      %dma_wait3A_217 = arith.constant 0 : i32
      %dma_wait3A_218 = arith.constant 0 : i32
      %dma_wait3A_219 = tpu.memref_slice %arg7[%dma_wait3A_217, %dma_wait3A_218] : memref<36x56xi32, #tpu.memory_space<vmem>> -> memref<1x56xi32, #tpu.memory_space<vmem>>
      %dma_wait3A_220 = tpu.memref_squeeze %dma_wait3A_219 : memref<1x56xi32, #tpu.memory_space<vmem>> -> memref<56xi32, #tpu.memory_space<vmem>>
      %dma_wait3A_221 = arith.constant 0 : i32
      %dma_wait3A_222 = arith.constant 0 : i32
      %dma_wait3A_223 = tpu.memref_slice %arg12[%dma_wait3A_221, %dma_wait3A_222] : memref<10368x144xf32, #tpu.memory_space<vmem_shared>> -> memref<10368x144xf32, #tpu.memory_space<vmem_shared>>
      tpu.wait_indirect_dma semaphore(%arg14 : memref<!tpu.dma_semaphore, #tpu.memory_space<semaphore_mem>>) src(%arg8 : memref<56x144xf32, #tpu.memory_space<vmem>>) dst(%dma_wait3A_223 : memref<10368x144xf32, #tpu.memory_space<vmem_shared>>)
    }
    %while3A_159 = arith.constant 1 : i32
    scf.for %while3A_171 = %while3A_157 to %while3A_153 step %while3A_159  : i32 {
      %add3A_172 = arith.addi %select_n3A, %while3A_171 : i32
      %mul3A_173 = arith.constant 36 : i32
      %mul3A_174 = arith.muli %add3A_172, %mul3A_173 : i32
      %run_scoped3A = arith.constant 0 : i32
      "tpu.region"() ({
        %run_scoped3A_224 = tpu.sem_alloc : memref<!tpu.dma_semaphore, #tpu.memory_space<semaphore_mem>>
        %dma_start3A_225 = arith.constant 0 : i32
        %dma_start3A_226 = tpu.memref_slice %arg3[%run_scoped3A, %mul3A_174, %dma_start3A_225] : memref<2x5760x56xi32, #tpu.memory_space<hbm>> -> memref<1x36x56xi32, #tpu.memory_space<hbm>>
        %dma_start3A_227 = tpu.memref_squeeze %dma_start3A_226 : memref<1x36x56xi32, #tpu.memory_space<hbm>> -> memref<36x56xi32, #tpu.memory_space<hbm>>
        %dma_start3A_228 = arith.constant 0 : i32
        %dma_start3A_229 = tpu.memref_slice %arg3[%run_scoped3A, %mul3A_174, %dma_start3A_228] : memref<2x5760x56xi32, #tpu.memory_space<hbm>> -> memref<1x36x56xi32, #tpu.memory_space<hbm>>
        %dma_start3A_230 = tpu.memref_squeeze %dma_start3A_229 : memref<1x36x56xi32, #tpu.memory_space<hbm>> -> memref<36x56xi32, #tpu.memory_space<hbm>>
        tpu.enqueue_dma source(%dma_start3A_230 : memref<36x56xi32, #tpu.memory_space<hbm>>) target(%arg6 : memref<36x56xi32, #tpu.memory_space<vmem>>) target_semaphore(%run_scoped3A_224 : memref<!tpu.dma_semaphore, #tpu.memory_space<semaphore_mem>>)
        %dma_wait3A_231 = arith.constant 0 : i32
        %dma_wait3A_232 = tpu.memref_slice %arg3[%run_scoped3A, %mul3A_174, %dma_wait3A_231] : memref<2x5760x56xi32, #tpu.memory_space<hbm>> -> memref<1x36x56xi32, #tpu.memory_space<hbm>>
        %dma_wait3A_233 = tpu.memref_squeeze %dma_wait3A_232 : memref<1x36x56xi32, #tpu.memory_space<hbm>> -> memref<36x56xi32, #tpu.memory_space<hbm>>
        %dma_wait3A_234 = arith.constant 0 : i32
        %dma_wait3A_235 = tpu.memref_slice %arg3[%run_scoped3A, %mul3A_174, %dma_wait3A_234] : memref<2x5760x56xi32, #tpu.memory_space<hbm>> -> memref<1x36x56xi32, #tpu.memory_space<hbm>>
        %dma_wait3A_236 = tpu.memref_squeeze %dma_wait3A_235 : memref<1x36x56xi32, #tpu.memory_space<hbm>> -> memref<36x56xi32, #tpu.memory_space<hbm>>
        tpu.wait_dma2 semaphore(%run_scoped3A_224 : memref<!tpu.dma_semaphore, #tpu.memory_space<semaphore_mem>>) src(%dma_wait3A_236 : memref<36x56xi32, #tpu.memory_space<hbm>>) dst(%arg6 : memref<36x56xi32, #tpu.memory_space<vmem>>)
        tpu.yield
      }) : () -> ()
      %run_scoped3A_175 = arith.constant 1 : i32
      "tpu.region"() ({
        %run_scoped3A_224 = tpu.sem_alloc : memref<!tpu.dma_semaphore, #tpu.memory_space<semaphore_mem>>
        %dma_start3A_225 = arith.constant 0 : i32
        %dma_start3A_226 = tpu.memref_slice %arg3[%run_scoped3A_175, %mul3A_174, %dma_start3A_225] : memref<2x5760x56xi32, #tpu.memory_space<hbm>> -> memref<1x36x56xi32, #tpu.memory_space<hbm>>
        %dma_start3A_227 = tpu.memref_squeeze %dma_start3A_226 : memref<1x36x56xi32, #tpu.memory_space<hbm>> -> memref<36x56xi32, #tpu.memory_space<hbm>>
        %dma_start3A_228 = arith.constant 0 : i32
        %dma_start3A_229 = tpu.memref_slice %arg3[%run_scoped3A_175, %mul3A_174, %dma_start3A_228] : memref<2x5760x56xi32, #tpu.memory_space<hbm>> -> memref<1x36x56xi32, #tpu.memory_space<hbm>>
        %dma_start3A_230 = tpu.memref_squeeze %dma_start3A_229 : memref<1x36x56xi32, #tpu.memory_space<hbm>> -> memref<36x56xi32, #tpu.memory_space<hbm>>
        tpu.enqueue_dma source(%dma_start3A_230 : memref<36x56xi32, #tpu.memory_space<hbm>>) target(%arg7 : memref<36x56xi32, #tpu.memory_space<vmem>>) target_semaphore(%run_scoped3A_224 : memref<!tpu.dma_semaphore, #tpu.memory_space<semaphore_mem>>)
        %dma_wait3A_231 = arith.constant 0 : i32
        %dma_wait3A_232 = tpu.memref_slice %arg3[%run_scoped3A_175, %mul3A_174, %dma_wait3A_231] : memref<2x5760x56xi32, #tpu.memory_space<hbm>> -> memref<1x36x56xi32, #tpu.memory_space<hbm>>
        %dma_wait3A_233 = tpu.memref_squeeze %dma_wait3A_232 : memref<1x36x56xi32, #tpu.memory_space<hbm>> -> memref<36x56xi32, #tpu.memory_space<hbm>>
        %dma_wait3A_234 = arith.constant 0 : i32
        %dma_wait3A_235 = tpu.memref_slice %arg3[%run_scoped3A_175, %mul3A_174, %dma_wait3A_234] : memref<2x5760x56xi32, #tpu.memory_space<hbm>> -> memref<1x36x56xi32, #tpu.memory_space<hbm>>
        %dma_wait3A_236 = tpu.memref_squeeze %dma_wait3A_235 : memref<1x36x56xi32, #tpu.memory_space<hbm>> -> memref<36x56xi32, #tpu.memory_space<hbm>>
        tpu.wait_dma2 semaphore(%run_scoped3A_224 : memref<!tpu.dma_semaphore, #tpu.memory_space<semaphore_mem>>) src(%dma_wait3A_236 : memref<36x56xi32, #tpu.memory_space<hbm>>) dst(%arg7 : memref<36x56xi32, #tpu.memory_space<vmem>>)
        tpu.yield
      }) : () -> ()
      %dma_start3A_176 = arith.constant 0 : i32
      %dma_start3A_177 = arith.constant 0 : i32
      %dma_start3A_178 = tpu.memref_slice %arg6[%dma_start3A_176, %dma_start3A_177] : memref<36x56xi32, #tpu.memory_space<vmem>> -> memref<1x56xi32, #tpu.memory_space<vmem>>
      %dma_start3A_179 = tpu.memref_squeeze %dma_start3A_178 : memref<1x56xi32, #tpu.memory_space<vmem>> -> memref<56xi32, #tpu.memory_space<vmem>>
      %dma_start3A_180 = arith.constant 0 : i32
      %dma_start3A_181 = arith.constant 0 : i32
      %dma_start3A_182 = tpu.memref_slice %arg2[%dma_start3A_180, %dma_start3A_181] : memref<10000x144xf32, #tpu.memory_space<hbm>> -> memref<10000x144xf32, #tpu.memory_space<hbm>>
      tpu.enqueue_indirect_dma source(%dma_start3A_182 : memref<10000x144xf32, #tpu.memory_space<hbm>>) target(%arg8 : memref<56x144xf32, #tpu.memory_space<vmem>>) offsets(%dma_start3A_179 : memref<56xi32, #tpu.memory_space<vmem>>) semaphore(%arg13 : memref<!tpu.dma_semaphore, #tpu.memory_space<semaphore_mem>>)
      %dma_start3A_183 = arith.constant 1 : i32
      %dma_start3A_184 = arith.constant 0 : i32
      %dma_start3A_185 = tpu.memref_slice %arg6[%dma_start3A_183, %dma_start3A_184] : memref<36x56xi32, #tpu.memory_space<vmem>> -> memref<1x56xi32, #tpu.memory_space<vmem>>
      %dma_start3A_186 = tpu.memref_squeeze %dma_start3A_185 : memref<1x56xi32, #tpu.memory_space<vmem>> -> memref<56xi32, #tpu.memory_space<vmem>>
      %dma_start3A_187 = arith.constant 0 : i32
      %dma_start3A_188 = arith.constant 0 : i32
      %dma_start3A_189 = tpu.memref_slice %arg2[%dma_start3A_187, %dma_start3A_188] : memref<10000x144xf32, #tpu.memory_space<hbm>> -> memref<10000x144xf32, #tpu.memory_space<hbm>>
      tpu.enqueue_indirect_dma source(%dma_start3A_189 : memref<10000x144xf32, #tpu.memory_space<hbm>>) target(%arg9 : memref<56x144xf32, #tpu.memory_space<vmem>>) offsets(%dma_start3A_186 : memref<56xi32, #tpu.memory_space<vmem>>) semaphore(%arg13 : memref<!tpu.dma_semaphore, #tpu.memory_space<semaphore_mem>>)
      %dma_start3A_190 = arith.constant 2 : i32
      %dma_start3A_191 = arith.constant 0 : i32
      %dma_start3A_192 = tpu.memref_slice %arg6[%dma_start3A_190, %dma_start3A_191] : memref<36x56xi32, #tpu.memory_space<vmem>> -> memref<1x56xi32, #tpu.memory_space<vmem>>
      %dma_start3A_193 = tpu.memref_squeeze %dma_start3A_192 : memref<1x56xi32, #tpu.memory_space<vmem>> -> memref<56xi32, #tpu.memory_space<vmem>>
      %dma_start3A_194 = arith.constant 0 : i32
      %dma_start3A_195 = arith.constant 0 : i32
      %dma_start3A_196 = tpu.memref_slice %arg2[%dma_start3A_194, %dma_start3A_195] : memref<10000x144xf32, #tpu.memory_space<hbm>> -> memref<10000x144xf32, #tpu.memory_space<hbm>>
      tpu.enqueue_indirect_dma source(%dma_start3A_196 : memref<10000x144xf32, #tpu.memory_space<hbm>>) target(%arg10 : memref<56x144xf32, #tpu.memory_space<vmem>>) offsets(%dma_start3A_193 : memref<56xi32, #tpu.memory_space<vmem>>) semaphore(%arg13 : memref<!tpu.dma_semaphore, #tpu.memory_space<semaphore_mem>>)
      %dma_start3A_197 = arith.constant 3 : i32
      %dma_start3A_198 = arith.constant 0 : i32
      %dma_start3A_199 = tpu.memref_slice %arg6[%dma_start3A_197, %dma_start3A_198] : memref<36x56xi32, #tpu.memory_space<vmem>> -> memref<1x56xi32, #tpu.memory_space<vmem>>
      %dma_start3A_200 = tpu.memref_squeeze %dma_start3A_199 : memref<1x56xi32, #tpu.memory_space<vmem>> -> memref<56xi32, #tpu.memory_space<vmem>>
      %dma_start3A_201 = arith.constant 0 : i32
      %dma_start3A_202 = arith.constant 0 : i32
      %dma_start3A_203 = tpu.memref_slice %arg2[%dma_start3A_201, %dma_start3A_202] : memref<10000x144xf32, #tpu.memory_space<hbm>> -> memref<10000x144xf32, #tpu.memory_space<hbm>>
      tpu.enqueue_indirect_dma source(%dma_start3A_203 : memref<10000x144xf32, #tpu.memory_space<hbm>>) target(%arg11 : memref<56x144xf32, #tpu.memory_space<vmem>>) offsets(%dma_start3A_200 : memref<56xi32, #tpu.memory_space<vmem>>) semaphore(%arg13 : memref<!tpu.dma_semaphore, #tpu.memory_space<semaphore_mem>>)
      %scan3A_204 = arith.constant 0 : i32
      %scan3A_205 = arith.constant 0 : i32
      %scan3A_206 = arith.constant 9 : i32
      %scan3A_207 = arith.addi %scan3A_205, %scan3A_206 : i32
      %scan3A_208 = arith.constant 1 : i32
      scf.for %scan3A_224 = %scan3A_205 to %scan3A_207 step %scan3A_208  : i32 {
        %mul3A_225 = arith.constant 4 : i32
        %mul3A_226 = arith.muli %mul3A_225, %scan3A_224 : i32
        %add3A_227 = arith.constant 0 : i32
        %add3A_228 = arith.addi %mul3A_226, %add3A_227 : i32
        %dma_wait3A_229 = arith.constant 0 : i32
        %dma_wait3A_230 = arith.constant 0 : i32
        %dma_wait3A_231 = tpu.memref_slice %arg6[%dma_wait3A_229, %dma_wait3A_230] : memref<36x56xi32, #tpu.memory_space<vmem>> -> memref<1x56xi32, #tpu.memory_space<vmem>>
        %dma_wait3A_232 = tpu.memref_squeeze %dma_wait3A_231 : memref<1x56xi32, #tpu.memory_space<vmem>> -> memref<56xi32, #tpu.memory_space<vmem>>
        %dma_wait3A_233 = arith.constant 0 : i32
        %dma_wait3A_234 = arith.constant 0 : i32
        %dma_wait3A_235 = tpu.memref_slice %arg2[%dma_wait3A_233, %dma_wait3A_234] : memref<10000x144xf32, #tpu.memory_space<hbm>> -> memref<10000x144xf32, #tpu.memory_space<hbm>>
        tpu.wait_indirect_dma semaphore(%arg13 : memref<!tpu.dma_semaphore, #tpu.memory_space<semaphore_mem>>) src(%dma_wait3A_235 : memref<10000x144xf32, #tpu.memory_space<hbm>>) dst(%arg8 : memref<56x144xf32, #tpu.memory_space<vmem>>)
        %gt3A = arith.constant 0 : i32
        %gt3A_236 = arith.cmpi sgt, %scan3A_224, %gt3A : i32
        %convert_element_type3A_237 = arith.extui %gt3A_236 : i1 to i32
        %cond3A_238 = arith.constant 0 : i32
        %cond3A_239 = arith.cmpi ne, %convert_element_type3A_237, %cond3A_238 : i32
        scf.if %cond3A_239 {
          %dma_wait3A_325 = arith.constant 0 : i32
          %dma_wait3A_326 = arith.constant 0 : i32
          %dma_wait3A_327 = tpu.memref_slice %arg7[%dma_wait3A_325, %dma_wait3A_326] : memref<36x56xi32, #tpu.memory_space<vmem>> -> memref<1x56xi32, #tpu.memory_space<vmem>>
          %dma_wait3A_328 = tpu.memref_squeeze %dma_wait3A_327 : memref<1x56xi32, #tpu.memory_space<vmem>> -> memref<56xi32, #tpu.memory_space<vmem>>
          %dma_wait3A_329 = arith.constant 0 : i32
          %dma_wait3A_330 = arith.constant 0 : i32
          %dma_wait3A_331 = tpu.memref_slice %arg12[%dma_wait3A_329, %dma_wait3A_330] : memref<10368x144xf32, #tpu.memory_space<vmem_shared>> -> memref<10368x144xf32, #tpu.memory_space<vmem_shared>>
          tpu.wait_indirect_dma semaphore(%arg14 : memref<!tpu.dma_semaphore, #tpu.memory_space<semaphore_mem>>) src(%arg8 : memref<56x144xf32, #tpu.memory_space<vmem>>) dst(%dma_wait3A_331 : memref<10368x144xf32, #tpu.memory_space<vmem_shared>>)
          %add3A_332 = arith.constant 2 : i32
          %add3A_333 = arith.addi %add3A_228, %add3A_332 : i32
          %dma_start3A_334 = arith.constant 0 : i32
          %dma_start3A_335 = tpu.memref_slice %arg6[%add3A_333, %dma_start3A_334] : memref<36x56xi32, #tpu.memory_space<vmem>> -> memref<1x56xi32, #tpu.memory_space<vmem>>
          %dma_start3A_336 = tpu.memref_squeeze %dma_start3A_335 : memref<1x56xi32, #tpu.memory_space<vmem>> -> memref<56xi32, #tpu.memory_space<vmem>>
          %dma_start3A_337 = arith.constant 0 : i32
          %dma_start3A_338 = arith.constant 0 : i32
          %dma_start3A_339 = tpu.memref_slice %arg2[%dma_start3A_337, %dma_start3A_338] : memref<10000x144xf32, #tpu.memory_space<hbm>> -> memref<10000x144xf32, #tpu.memory_space<hbm>>
          tpu.enqueue_indirect_dma source(%dma_start3A_339 : memref<10000x144xf32, #tpu.memory_space<hbm>>) target(%arg10 : memref<56x144xf32, #tpu.memory_space<vmem>>) offsets(%dma_start3A_336 : memref<56xi32, #tpu.memory_space<vmem>>) semaphore(%arg13 : memref<!tpu.dma_semaphore, #tpu.memory_space<semaphore_mem>>)
        } else {
        }
        %dma_start3A_240 = arith.constant 0 : i32
        %dma_start3A_241 = tpu.memref_slice %arg7[%add3A_228, %dma_start3A_240] : memref<36x56xi32, #tpu.memory_space<vmem>> -> memref<1x56xi32, #tpu.memory_space<vmem>>
        %dma_start3A_242 = tpu.memref_squeeze %dma_start3A_241 : memref<1x56xi32, #tpu.memory_space<vmem>> -> memref<56xi32, #tpu.memory_space<vmem>>
        %dma_start3A_243 = arith.constant 0 : i32
        %dma_start3A_244 = arith.constant 0 : i32
        %dma_start3A_245 = tpu.memref_slice %arg12[%dma_start3A_243, %dma_start3A_244] : memref<10368x144xf32, #tpu.memory_space<vmem_shared>> -> memref<10368x144xf32, #tpu.memory_space<vmem_shared>>
        tpu.enqueue_indirect_dma source(%arg8 : memref<56x144xf32, #tpu.memory_space<vmem>>) target(%dma_start3A_245 : memref<10368x144xf32, #tpu.memory_space<vmem_shared>>) offsets(%dma_start3A_242 : memref<56xi32, #tpu.memory_space<vmem>>) semaphore(%arg14 : memref<!tpu.dma_semaphore, #tpu.memory_space<semaphore_mem>>) {add = true}
        %mul3A_246 = arith.constant 4 : i32
        %mul3A_247 = arith.muli %mul3A_246, %scan3A_224 : i32
        %add3A_248 = arith.constant 1 : i32
        %add3A_249 = arith.addi %mul3A_247, %add3A_248 : i32
        %dma_wait3A_250 = arith.constant 0 : i32
        %dma_wait3A_251 = arith.constant 0 : i32
        %dma_wait3A_252 = tpu.memref_slice %arg6[%dma_wait3A_250, %dma_wait3A_251] : memref<36x56xi32, #tpu.memory_space<vmem>> -> memref<1x56xi32, #tpu.memory_space<vmem>>
        %dma_wait3A_253 = tpu.memref_squeeze %dma_wait3A_252 : memref<1x56xi32, #tpu.memory_space<vmem>> -> memref<56xi32, #tpu.memory_space<vmem>>
        %dma_wait3A_254 = arith.constant 0 : i32
        %dma_wait3A_255 = arith.constant 0 : i32
        %dma_wait3A_256 = tpu.memref_slice %arg2[%dma_wait3A_254, %dma_wait3A_255] : memref<10000x144xf32, #tpu.memory_space<hbm>> -> memref<10000x144xf32, #tpu.memory_space<hbm>>
        tpu.wait_indirect_dma semaphore(%arg13 : memref<!tpu.dma_semaphore, #tpu.memory_space<semaphore_mem>>) src(%dma_wait3A_256 : memref<10000x144xf32, #tpu.memory_space<hbm>>) dst(%arg8 : memref<56x144xf32, #tpu.memory_space<vmem>>)
        %gt3A_257 = arith.constant 0 : i32
        %gt3A_258 = arith.cmpi sgt, %scan3A_224, %gt3A_257 : i32
        %convert_element_type3A_259 = arith.extui %gt3A_258 : i1 to i32
        %cond3A_260 = arith.constant 0 : i32
        %cond3A_261 = arith.cmpi ne, %convert_element_type3A_259, %cond3A_260 : i32
        scf.if %cond3A_261 {
          %dma_wait3A_325 = arith.constant 0 : i32
          %dma_wait3A_326 = arith.constant 0 : i32
          %dma_wait3A_327 = tpu.memref_slice %arg7[%dma_wait3A_325, %dma_wait3A_326] : memref<36x56xi32, #tpu.memory_space<vmem>> -> memref<1x56xi32, #tpu.memory_space<vmem>>
          %dma_wait3A_328 = tpu.memref_squeeze %dma_wait3A_327 : memref<1x56xi32, #tpu.memory_space<vmem>> -> memref<56xi32, #tpu.memory_space<vmem>>
          %dma_wait3A_329 = arith.constant 0 : i32
          %dma_wait3A_330 = arith.constant 0 : i32
          %dma_wait3A_331 = tpu.memref_slice %arg12[%dma_wait3A_329, %dma_wait3A_330] : memref<10368x144xf32, #tpu.memory_space<vmem_shared>> -> memref<10368x144xf32, #tpu.memory_space<vmem_shared>>
          tpu.wait_indirect_dma semaphore(%arg14 : memref<!tpu.dma_semaphore, #tpu.memory_space<semaphore_mem>>) src(%arg8 : memref<56x144xf32, #tpu.memory_space<vmem>>) dst(%dma_wait3A_331 : memref<10368x144xf32, #tpu.memory_space<vmem_shared>>)
          %add3A_332 = arith.constant 2 : i32
          %add3A_333 = arith.addi %add3A_249, %add3A_332 : i32
          %dma_start3A_334 = arith.constant 0 : i32
          %dma_start3A_335 = tpu.memref_slice %arg6[%add3A_333, %dma_start3A_334] : memref<36x56xi32, #tpu.memory_space<vmem>> -> memref<1x56xi32, #tpu.memory_space<vmem>>
          %dma_start3A_336 = tpu.memref_squeeze %dma_start3A_335 : memref<1x56xi32, #tpu.memory_space<vmem>> -> memref<56xi32, #tpu.memory_space<vmem>>
          %dma_start3A_337 = arith.constant 0 : i32
          %dma_start3A_338 = arith.constant 0 : i32
          %dma_start3A_339 = tpu.memref_slice %arg2[%dma_start3A_337, %dma_start3A_338] : memref<10000x144xf32, #tpu.memory_space<hbm>> -> memref<10000x144xf32, #tpu.memory_space<hbm>>
          tpu.enqueue_indirect_dma source(%dma_start3A_339 : memref<10000x144xf32, #tpu.memory_space<hbm>>) target(%arg11 : memref<56x144xf32, #tpu.memory_space<vmem>>) offsets(%dma_start3A_336 : memref<56xi32, #tpu.memory_space<vmem>>) semaphore(%arg13 : memref<!tpu.dma_semaphore, #tpu.memory_space<semaphore_mem>>)
        } else {
        }
        %dma_start3A_262 = arith.constant 0 : i32
        %dma_start3A_263 = tpu.memref_slice %arg7[%add3A_249, %dma_start3A_262] : memref<36x56xi32, #tpu.memory_space<vmem>> -> memref<1x56xi32, #tpu.memory_space<vmem>>
        %dma_start3A_264 = tpu.memref_squeeze %dma_start3A_263 : memref<1x56xi32, #tpu.memory_space<vmem>> -> memref<56xi32, #tpu.memory_space<vmem>>
        %dma_start3A_265 = arith.constant 0 : i32
        %dma_start3A_266 = arith.constant 0 : i32
        %dma_start3A_267 = tpu.memref_slice %arg12[%dma_start3A_265, %dma_start3A_266] : memref<10368x144xf32, #tpu.memory_space<vmem_shared>> -> memref<10368x144xf32, #tpu.memory_space<vmem_shared>>
        tpu.enqueue_indirect_dma source(%arg9 : memref<56x144xf32, #tpu.memory_space<vmem>>) target(%dma_start3A_267 : memref<10368x144xf32, #tpu.memory_space<vmem_shared>>) offsets(%dma_start3A_264 : memref<56xi32, #tpu.memory_space<vmem>>) semaphore(%arg14 : memref<!tpu.dma_semaphore, #tpu.memory_space<semaphore_mem>>) {add = true}
        %mul3A_268 = arith.constant 4 : i32
        %mul3A_269 = arith.muli %mul3A_268, %scan3A_224 : i32
        %add3A_270 = arith.constant 2 : i32
        %add3A_271 = arith.addi %mul3A_269, %add3A_270 : i32
        %dma_wait3A_272 = arith.constant 0 : i32
        %dma_wait3A_273 = arith.constant 0 : i32
        %dma_wait3A_274 = tpu.memref_slice %arg6[%dma_wait3A_272, %dma_wait3A_273] : memref<36x56xi32, #tpu.memory_space<vmem>> -> memref<1x56xi32, #tpu.memory_space<vmem>>
        %dma_wait3A_275 = tpu.memref_squeeze %dma_wait3A_274 : memref<1x56xi32, #tpu.memory_space<vmem>> -> memref<56xi32, #tpu.memory_space<vmem>>
        %dma_wait3A_276 = arith.constant 0 : i32
        %dma_wait3A_277 = arith.constant 0 : i32
        %dma_wait3A_278 = tpu.memref_slice %arg2[%dma_wait3A_276, %dma_wait3A_277] : memref<10000x144xf32, #tpu.memory_space<hbm>> -> memref<10000x144xf32, #tpu.memory_space<hbm>>
        tpu.wait_indirect_dma semaphore(%arg13 : memref<!tpu.dma_semaphore, #tpu.memory_space<semaphore_mem>>) src(%dma_wait3A_278 : memref<10000x144xf32, #tpu.memory_space<hbm>>) dst(%arg8 : memref<56x144xf32, #tpu.memory_space<vmem>>)
        %dma_wait3A_279 = arith.constant 0 : i32
        %dma_wait3A_280 = arith.constant 0 : i32
        %dma_wait3A_281 = tpu.memref_slice %arg7[%dma_wait3A_279, %dma_wait3A_280] : memref<36x56xi32, #tpu.memory_space<vmem>> -> memref<1x56xi32, #tpu.memory_space<vmem>>
        %dma_wait3A_282 = tpu.memref_squeeze %dma_wait3A_281 : memref<1x56xi32, #tpu.memory_space<vmem>> -> memref<56xi32, #tpu.memory_space<vmem>>
        %dma_wait3A_283 = arith.constant 0 : i32
        %dma_wait3A_284 = arith.constant 0 : i32
        %dma_wait3A_285 = tpu.memref_slice %arg12[%dma_wait3A_283, %dma_wait3A_284] : memref<10368x144xf32, #tpu.memory_space<vmem_shared>> -> memref<10368x144xf32, #tpu.memory_space<vmem_shared>>
        tpu.wait_indirect_dma semaphore(%arg14 : memref<!tpu.dma_semaphore, #tpu.memory_space<semaphore_mem>>) src(%arg8 : memref<56x144xf32, #tpu.memory_space<vmem>>) dst(%dma_wait3A_285 : memref<10368x144xf32, #tpu.memory_space<vmem_shared>>)
        %lt3A = arith.constant 8 : i32
        %lt3A_286 = arith.cmpi slt, %scan3A_224, %lt3A : i32
        %convert_element_type3A_287 = arith.extui %lt3A_286 : i1 to i32
        %cond3A_288 = arith.constant 0 : i32
        %cond3A_289 = arith.cmpi ne, %convert_element_type3A_287, %cond3A_288 : i32
        scf.if %cond3A_289 {
          %add3A_325 = arith.constant 2 : i32
          %add3A_326 = arith.addi %add3A_271, %add3A_325 : i32
          %dma_start3A_327 = arith.constant 0 : i32
          %dma_start3A_328 = tpu.memref_slice %arg6[%add3A_326, %dma_start3A_327] : memref<36x56xi32, #tpu.memory_space<vmem>> -> memref<1x56xi32, #tpu.memory_space<vmem>>
          %dma_start3A_329 = tpu.memref_squeeze %dma_start3A_328 : memref<1x56xi32, #tpu.memory_space<vmem>> -> memref<56xi32, #tpu.memory_space<vmem>>
          %dma_start3A_330 = arith.constant 0 : i32
          %dma_start3A_331 = arith.constant 0 : i32
          %dma_start3A_332 = tpu.memref_slice %arg2[%dma_start3A_330, %dma_start3A_331] : memref<10000x144xf32, #tpu.memory_space<hbm>> -> memref<10000x144xf32, #tpu.memory_space<hbm>>
          tpu.enqueue_indirect_dma source(%dma_start3A_332 : memref<10000x144xf32, #tpu.memory_space<hbm>>) target(%arg8 : memref<56x144xf32, #tpu.memory_space<vmem>>) offsets(%dma_start3A_329 : memref<56xi32, #tpu.memory_space<vmem>>) semaphore(%arg13 : memref<!tpu.dma_semaphore, #tpu.memory_space<semaphore_mem>>)
        } else {
        }
        %dma_start3A_290 = arith.constant 0 : i32
        %dma_start3A_291 = tpu.memref_slice %arg7[%add3A_271, %dma_start3A_290] : memref<36x56xi32, #tpu.memory_space<vmem>> -> memref<1x56xi32, #tpu.memory_space<vmem>>
        %dma_start3A_292 = tpu.memref_squeeze %dma_start3A_291 : memref<1x56xi32, #tpu.memory_space<vmem>> -> memref<56xi32, #tpu.memory_space<vmem>>
        %dma_start3A_293 = arith.constant 0 : i32
        %dma_start3A_294 = arith.constant 0 : i32
        %dma_start3A_295 = tpu.memref_slice %arg12[%dma_start3A_293, %dma_start3A_294] : memref<10368x144xf32, #tpu.memory_space<vmem_shared>> -> memref<10368x144xf32, #tpu.memory_space<vmem_shared>>
        tpu.enqueue_indirect_dma source(%arg10 : memref<56x144xf32, #tpu.memory_space<vmem>>) target(%dma_start3A_295 : memref<10368x144xf32, #tpu.memory_space<vmem_shared>>) offsets(%dma_start3A_292 : memref<56xi32, #tpu.memory_space<vmem>>) semaphore(%arg14 : memref<!tpu.dma_semaphore, #tpu.memory_space<semaphore_mem>>) {add = true}
        %mul3A_296 = arith.constant 4 : i32
        %mul3A_297 = arith.muli %mul3A_296, %scan3A_224 : i32
        %add3A_298 = arith.constant 3 : i32
        %add3A_299 = arith.addi %mul3A_297, %add3A_298 : i32
        %dma_wait3A_300 = arith.constant 0 : i32
        %dma_wait3A_301 = arith.constant 0 : i32
        %dma_wait3A_302 = tpu.memref_slice %arg6[%dma_wait3A_300, %dma_wait3A_301] : memref<36x56xi32, #tpu.memory_space<vmem>> -> memref<1x56xi32, #tpu.memory_space<vmem>>
        %dma_wait3A_303 = tpu.memref_squeeze %dma_wait3A_302 : memref<1x56xi32, #tpu.memory_space<vmem>> -> memref<56xi32, #tpu.memory_space<vmem>>
        %dma_wait3A_304 = arith.constant 0 : i32
        %dma_wait3A_305 = arith.constant 0 : i32
        %dma_wait3A_306 = tpu.memref_slice %arg2[%dma_wait3A_304, %dma_wait3A_305] : memref<10000x144xf32, #tpu.memory_space<hbm>> -> memref<10000x144xf32, #tpu.memory_space<hbm>>
        tpu.wait_indirect_dma semaphore(%arg13 : memref<!tpu.dma_semaphore, #tpu.memory_space<semaphore_mem>>) src(%dma_wait3A_306 : memref<10000x144xf32, #tpu.memory_space<hbm>>) dst(%arg8 : memref<56x144xf32, #tpu.memory_space<vmem>>)
        %dma_wait3A_307 = arith.constant 0 : i32
        %dma_wait3A_308 = arith.constant 0 : i32
        %dma_wait3A_309 = tpu.memref_slice %arg7[%dma_wait3A_307, %dma_wait3A_308] : memref<36x56xi32, #tpu.memory_space<vmem>> -> memref<1x56xi32, #tpu.memory_space<vmem>>
        %dma_wait3A_310 = tpu.memref_squeeze %dma_wait3A_309 : memref<1x56xi32, #tpu.memory_space<vmem>> -> memref<56xi32, #tpu.memory_space<vmem>>
        %dma_wait3A_311 = arith.constant 0 : i32
        %dma_wait3A_312 = arith.constant 0 : i32
        %dma_wait3A_313 = tpu.memref_slice %arg12[%dma_wait3A_311, %dma_wait3A_312] : memref<10368x144xf32, #tpu.memory_space<vmem_shared>> -> memref<10368x144xf32, #tpu.memory_space<vmem_shared>>
        tpu.wait_indirect_dma semaphore(%arg14 : memref<!tpu.dma_semaphore, #tpu.memory_space<semaphore_mem>>) src(%arg8 : memref<56x144xf32, #tpu.memory_space<vmem>>) dst(%dma_wait3A_313 : memref<10368x144xf32, #tpu.memory_space<vmem_shared>>)
        %lt3A_314 = arith.constant 8 : i32
        %lt3A_315 = arith.cmpi slt, %scan3A_224, %lt3A_314 : i32
        %convert_element_type3A_316 = arith.extui %lt3A_315 : i1 to i32
        %cond3A_317 = arith.constant 0 : i32
        %cond3A_318 = arith.cmpi ne, %convert_element_type3A_316, %cond3A_317 : i32
        scf.if %cond3A_318 {
          %add3A_325 = arith.constant 2 : i32
          %add3A_326 = arith.addi %add3A_299, %add3A_325 : i32
          %dma_start3A_327 = arith.constant 0 : i32
          %dma_start3A_328 = tpu.memref_slice %arg6[%add3A_326, %dma_start3A_327] : memref<36x56xi32, #tpu.memory_space<vmem>> -> memref<1x56xi32, #tpu.memory_space<vmem>>
          %dma_start3A_329 = tpu.memref_squeeze %dma_start3A_328 : memref<1x56xi32, #tpu.memory_space<vmem>> -> memref<56xi32, #tpu.memory_space<vmem>>
          %dma_start3A_330 = arith.constant 0 : i32
          %dma_start3A_331 = arith.constant 0 : i32
          %dma_start3A_332 = tpu.memref_slice %arg2[%dma_start3A_330, %dma_start3A_331] : memref<10000x144xf32, #tpu.memory_space<hbm>> -> memref<10000x144xf32, #tpu.memory_space<hbm>>
          tpu.enqueue_indirect_dma source(%dma_start3A_332 : memref<10000x144xf32, #tpu.memory_space<hbm>>) target(%arg9 : memref<56x144xf32, #tpu.memory_space<vmem>>) offsets(%dma_start3A_329 : memref<56xi32, #tpu.memory_space<vmem>>) semaphore(%arg13 : memref<!tpu.dma_semaphore, #tpu.memory_space<semaphore_mem>>)
        } else {
        }
        %dma_start3A_319 = arith.constant 0 : i32
        %dma_start3A_320 = tpu.memref_slice %arg7[%add3A_299, %dma_start3A_319] : memref<36x56xi32, #tpu.memory_space<vmem>> -> memref<1x56xi32, #tpu.memory_space<vmem>>
        %dma_start3A_321 = tpu.memref_squeeze %dma_start3A_320 : memref<1x56xi32, #tpu.memory_space<vmem>> -> memref<56xi32, #tpu.memory_space<vmem>>
        %dma_start3A_322 = arith.constant 0 : i32
        %dma_start3A_323 = arith.constant 0 : i32
        %dma_start3A_324 = tpu.memref_slice %arg12[%dma_start3A_322, %dma_start3A_323] : memref<10368x144xf32, #tpu.memory_space<vmem_shared>> -> memref<10368x144xf32, #tpu.memory_space<vmem_shared>>
        tpu.enqueue_indirect_dma source(%arg11 : memref<56x144xf32, #tpu.memory_space<vmem>>) target(%dma_start3A_324 : memref<10368x144xf32, #tpu.memory_space<vmem_shared>>) offsets(%dma_start3A_321 : memref<56xi32, #tpu.memory_space<vmem>>) semaphore(%arg14 : memref<!tpu.dma_semaphore, #tpu.memory_space<semaphore_mem>>) {add = true}
      }
      %scan3A_209 = arith.constant 9 : i32
      %dma_wait3A_210 = arith.constant 0 : i32
      %dma_wait3A_211 = arith.constant 0 : i32
      %dma_wait3A_212 = tpu.memref_slice %arg7[%dma_wait3A_210, %dma_wait3A_211] : memref<36x56xi32, #tpu.memory_space<vmem>> -> memref<1x56xi32, #tpu.memory_space<vmem>>
      %dma_wait3A_213 = tpu.memref_squeeze %dma_wait3A_212 : memref<1x56xi32, #tpu.memory_space<vmem>> -> memref<56xi32, #tpu.memory_space<vmem>>
      %dma_wait3A_214 = arith.constant 0 : i32
      %dma_wait3A_215 = arith.constant 0 : i32
      %dma_wait3A_216 = tpu.memref_slice %arg12[%dma_wait3A_214, %dma_wait3A_215] : memref<10368x144xf32, #tpu.memory_space<vmem_shared>> -> memref<10368x144xf32, #tpu.memory_space<vmem_shared>>
      tpu.wait_indirect_dma semaphore(%arg14 : memref<!tpu.dma_semaphore, #tpu.memory_space<semaphore_mem>>) src(%arg8 : memref<56x144xf32, #tpu.memory_space<vmem>>) dst(%dma_wait3A_216 : memref<10368x144xf32, #tpu.memory_space<vmem_shared>>)
      %dma_wait3A_217 = arith.constant 0 : i32
      %dma_wait3A_218 = arith.constant 0 : i32
      %dma_wait3A_219 = tpu.memref_slice %arg7[%dma_wait3A_217, %dma_wait3A_218] : memref<36x56xi32, #tpu.memory_space<vmem>> -> memref<1x56xi32, #tpu.memory_space<vmem>>
      %dma_wait3A_220 = tpu.memref_squeeze %dma_wait3A_219 : memref<1x56xi32, #tpu.memory_space<vmem>> -> memref<56xi32, #tpu.memory_space<vmem>>
      %dma_wait3A_221 = arith.constant 0 : i32
      %dma_wait3A_222 = arith.constant 0 : i32
      %dma_wait3A_223 = tpu.memref_slice %arg12[%dma_wait3A_221, %dma_wait3A_222] : memref<10368x144xf32, #tpu.memory_space<vmem_shared>> -> memref<10368x144xf32, #tpu.memory_space<vmem_shared>>
      tpu.wait_indirect_dma semaphore(%arg14 : memref<!tpu.dma_semaphore, #tpu.memory_space<semaphore_mem>>) src(%arg8 : memref<56x144xf32, #tpu.memory_space<vmem>>) dst(%dma_wait3A_223 : memref<10368x144xf32, #tpu.memory_space<vmem_shared>>)
    }
    %barrier3A_160 = arith.constant 0 : index
    tpu.barrier barrier_id(%barrier3A_160)
    %mul3A_161 = arith.constant 640 : i32
    %mul3A_162 = arith.muli %arg1, %mul3A_161 : i32
    %eq3A_163 = arith.constant 0 : i32
    %eq3A_164 = arith.cmpi eq, %arg0, %eq3A_163 : i32
    %convert_element_type3A = arith.extui %eq3A_164 : i1 to i32
    %cond3A = arith.constant 0 : i32
    %cond3A_165 = arith.cmpi ne, %convert_element_type3A, %cond3A : i32
    scf.if %cond3A_165 {
      "tpu.region"() ({
        %run_scoped3A = tpu.sem_alloc : memref<!tpu.dma_semaphore, #tpu.memory_space<semaphore_mem>>
        %dma_start3A_171 = arith.constant 0 : i32
        %dma_start3A_172 = tpu.memref_slice %arg4[%mul3A_162, %dma_start3A_171] : memref<10240x144xf32, #tpu.memory_space<hbm>> -> memref<640x144xf32, #tpu.memory_space<hbm>>
        %dma_start3A_173 = arith.constant 0 : i32
        %dma_start3A_174 = tpu.memref_slice %arg12[%mul3A_162, %dma_start3A_173] : memref<10368x144xf32, #tpu.memory_space<vmem_shared>> -> memref<640x144xf32, #tpu.memory_space<vmem_shared>>
        tpu.enqueue_dma source(%dma_start3A_174 : memref<640x144xf32, #tpu.memory_space<vmem_shared>>) target(%dma_start3A_172 : memref<640x144xf32, #tpu.memory_space<hbm>>) target_semaphore(%run_scoped3A : memref<!tpu.dma_semaphore, #tpu.memory_space<semaphore_mem>>)
        %dma_wait3A_175 = arith.constant 0 : i32
        %dma_wait3A_176 = tpu.memref_slice %arg4[%mul3A_162, %dma_wait3A_175] : memref<10240x144xf32, #tpu.memory_space<hbm>> -> memref<640x144xf32, #tpu.memory_space<hbm>>
        %dma_wait3A_177 = arith.constant 0 : i32
        %dma_wait3A_178 = tpu.memref_slice %arg12[%mul3A_162, %dma_wait3A_177] : memref<10368x144xf32, #tpu.memory_space<vmem_shared>> -> memref<640x144xf32, #tpu.memory_space<vmem_shared>>
        tpu.wait_dma2 semaphore(%run_scoped3A : memref<!tpu.dma_semaphore, #tpu.memory_space<semaphore_mem>>) src(%dma_wait3A_178 : memref<640x144xf32, #tpu.memory_space<vmem_shared>>) dst(%dma_wait3A_176 : memref<640x144xf32, #tpu.memory_space<hbm>>)
        tpu.yield
      }) : () -> ()
    } else {
    }
    %eq3A_166 = arith.constant 1 : i32
    %eq3A_167 = arith.cmpi eq, %arg0, %eq3A_166 : i32
    %convert_element_type3A_168 = arith.extui %eq3A_167 : i1 to i32
    %cond3A_169 = arith.constant 0 : i32
    %cond3A_170 = arith.cmpi ne, %convert_element_type3A_168, %cond3A_169 : i32
    scf.if %cond3A_170 {
      "tpu.region"() ({
        %run_scoped3A = tpu.sem_alloc : memref<!tpu.dma_semaphore, #tpu.memory_space<semaphore_mem>>
        %dma_start3A_171 = arith.constant 0 : i32
        %dma_start3A_172 = tpu.memref_slice %arg5[%mul3A_162, %dma_start3A_171] : memref<10240x144xf32, #tpu.memory_space<hbm>> -> memref<640x144xf32, #tpu.memory_space<hbm>>
        %dma_start3A_173 = arith.constant 0 : i32
        %dma_start3A_174 = tpu.memref_slice %arg12[%mul3A_162, %dma_start3A_173] : memref<10368x144xf32, #tpu.memory_space<vmem_shared>> -> memref<640x144xf32, #tpu.memory_space<vmem_shared>>
        tpu.enqueue_dma source(%dma_start3A_174 : memref<640x144xf32, #tpu.memory_space<vmem_shared>>) target(%dma_start3A_172 : memref<640x144xf32, #tpu.memory_space<hbm>>) target_semaphore(%run_scoped3A : memref<!tpu.dma_semaphore, #tpu.memory_space<semaphore_mem>>)
        %dma_wait3A_175 = arith.constant 0 : i32
        %dma_wait3A_176 = tpu.memref_slice %arg5[%mul3A_162, %dma_wait3A_175] : memref<10240x144xf32, #tpu.memory_space<hbm>> -> memref<640x144xf32, #tpu.memory_space<hbm>>
        %dma_wait3A_177 = arith.constant 0 : i32
        %dma_wait3A_178 = tpu.memref_slice %arg12[%mul3A_162, %dma_wait3A_177] : memref<10368x144xf32, #tpu.memory_space<vmem_shared>> -> memref<640x144xf32, #tpu.memory_space<vmem_shared>>
        tpu.wait_dma2 semaphore(%run_scoped3A : memref<!tpu.dma_semaphore, #tpu.memory_space<semaphore_mem>>) src(%dma_wait3A_178 : memref<640x144xf32, #tpu.memory_space<vmem_shared>>) dst(%dma_wait3A_176 : memref<640x144xf32, #tpu.memory_space<hbm>>)
        tpu.yield
      }) : () -> ()
    } else {
    }
    return
  }
}

module attributes {stable_mosaic.version = 14 : i64} {
  func.func @_prep_body(%arg0: i32, %arg1: memref<1x1000x128xf32, #tpu.memory_space<vmem>>, %arg2: memref<1x1000x3xf32, #tpu.memory_space<vmem>>, %arg3: memref<1x1000x3xf32, #tpu.memory_space<vmem>>, %arg4: memref<128x144xf32, #tpu.memory_space<vmem>>, %arg5: memref<8x144xf32, #tpu.memory_space<vmem>>, %arg6: memref<8x128xf32, #tpu.memory_space<vmem>>, %arg7: memref<1x128xf32, #tpu.memory_space<vmem>>, %arg8: memref<1000x144xf32, #tpu.memory_space<vmem>>, %arg9: memref<1000x128xf32, #tpu.memory_space<vmem>>) attributes {dimension_semantics = [#tpu.dimension_semantics<arbitrary>], iteration_bounds = array<i64: 10>, scalar_prefetch = 0 : i64, scratch_operands = 0 : i64, tpu.core_type = #tpu.core_type<tc>, window_params = [{transform_indices = @transform_0, window_bounds = array<i64: 1, 1000, 128>}, {transform_indices = @transform_1, window_bounds = array<i64: 1, 1000, 3>}, {transform_indices = @transform_2, window_bounds = array<i64: 1, 1000, 3>}, {pipeline_mode = #tpu.pipeline_mode<synchronous>, transform_indices = @transform_3, window_bounds = array<i64: 128, 144>}, {pipeline_mode = #tpu.pipeline_mode<synchronous>, transform_indices = @transform_4, window_bounds = array<i64: 8, 144>}, {pipeline_mode = #tpu.pipeline_mode<synchronous>, transform_indices = @transform_5, window_bounds = array<i64: 8, 128>}, {pipeline_mode = #tpu.pipeline_mode<synchronous>, transform_indices = @transform_6, window_bounds = array<i64: 1, 128>}, {transform_indices = @transform_7, window_bounds = array<i64: 1000, 144>}, {transform_indices = @transform_8, window_bounds = array<i64: 1000, 128>}]} {
    %get3A = arith.constant 0 : index
    %get3A_0 = arith.constant 0 : index
    %get3A_1 = arith.constant 0 : index
    %get3A_2 = vector.load %arg1[%get3A, %get3A_0, %get3A_1] : memref<1x1000x128xf32, #tpu.memory_space<vmem>>, vector<1x1000x128xf32>
    %get3A_3 = vector.shape_cast %get3A_2 : vector<1x1000x128xf32> to vector<1000x128xf32>
    %get3A_4 = arith.constant 0 : index
    %get3A_5 = arith.constant 0 : index
    %get3A_6 = vector.load %arg4[%get3A_4, %get3A_5] : memref<128x144xf32, #tpu.memory_space<vmem>>, vector<128x144xf32>
    %dot_general3A = arith.constant dense<0.000000e+00> : vector<1000x144xf32>
    %dot_general3A_7 = tpu.matmul %get3A_3, %get3A_6, %dot_general3A {dimension_numbers = #tpu.dot_dimension_numbers<[1], [0], [0], [1], [0, 0, 1, 1], [], []>, transpose_lhs_hint = false} : vector<1000x128xf32>, vector<128x144xf32>, vector<1000x144xf32> -> vector<1000x144xf32>
    %get3A_8 = arith.constant 0 : index
    %get3A_9 = arith.constant 0 : index
    %get3A_10 = vector.load %arg5[%get3A_8, %get3A_9] : memref<8x144xf32, #tpu.memory_space<vmem>>, vector<8x144xf32>
    %get3A_11 = arith.constant 0 : index
    %get3A_12 = arith.constant 0 : index
    %get3A_13 = vector.load %arg6[%get3A_11, %get3A_12] : memref<8x128xf32, #tpu.memory_space<vmem>>, vector<8x128xf32>
    %get3A_14 = arith.constant 0 : index
    %get3A_15 = arith.constant 0 : index
    %get3A_16 = arith.constant 0 : index
    %get3A_17 = vector.load %arg2[%get3A_14, %get3A_15, %get3A_16] : memref<1x1000x3xf32, #tpu.memory_space<vmem>>, vector<1x1000x3xf32>
    %get3A_18 = vector.shape_cast %get3A_17 : vector<1x1000x3xf32> to vector<1000x3xf32>
    %get3A_19 = arith.constant 0 : index
    %get3A_20 = arith.constant 0 : index
    %get3A_21 = arith.constant 0 : index
    %get3A_22 = vector.load %arg3[%get3A_19, %get3A_20, %get3A_21] : memref<1x1000x3xf32, #tpu.memory_space<vmem>>, vector<1x1000x3xf32>
    %get3A_23 = vector.shape_cast %get3A_22 : vector<1x1000x3xf32> to vector<1000x3xf32>
    %get3A_24 = arith.constant 0 : index
    %get3A_25 = arith.constant 0 : index
    %get3A_26 = vector.load %arg7[%get3A_24, %get3A_25] : memref<1x128xf32, #tpu.memory_space<vmem>>, vector<1x128xf32>
    %slice3A = vector.extract_strided_slice %get3A_18 {offsets = [0, 0], sizes = [1000, 1], strides = [1, 1]} : vector<1000x3xf32> to vector<1000x1xf32>
    %slice3A_27 = vector.extract_strided_slice %get3A_10 {offsets = [0, 0], sizes = [1, 144], strides = [1, 1]} : vector<8x144xf32> to vector<1x144xf32>
    %mul3A = vector.broadcast %slice3A : vector<1000x1xf32> to vector<1000x144xf32>
    %mul3A_28 = vector.broadcast %slice3A_27 : vector<1x144xf32> to vector<1000x144xf32>
    %mul3A_29 = arith.mulf %mul3A, %mul3A_28 : vector<1000x144xf32>
    %add3A = arith.addf %dot_general3A_7, %mul3A_29 : vector<1000x144xf32>
    %slice3A_30 = vector.extract_strided_slice %get3A_23 {offsets = [0, 0], sizes = [1000, 1], strides = [1, 1]} : vector<1000x3xf32> to vector<1000x1xf32>
    %slice3A_31 = vector.extract_strided_slice %get3A_13 {offsets = [0, 0], sizes = [1, 128], strides = [1, 1]} : vector<8x128xf32> to vector<1x128xf32>
    %mul3A_32 = vector.broadcast %slice3A_30 : vector<1000x1xf32> to vector<1000x128xf32>
    %mul3A_33 = vector.broadcast %slice3A_31 : vector<1x128xf32> to vector<1000x128xf32>
    %mul3A_34 = arith.mulf %mul3A_32, %mul3A_33 : vector<1000x128xf32>
    %sub3A = vector.broadcast %get3A_26 : vector<1x128xf32> to vector<1000x128xf32>
    %sub3A_35 = arith.subf %sub3A, %mul3A_34 : vector<1000x128xf32>
    %slice3A_36 = vector.extract_strided_slice %get3A_18 {offsets = [0, 1], sizes = [1000, 1], strides = [1, 1]} : vector<1000x3xf32> to vector<1000x1xf32>
    %slice3A_37 = vector.extract_strided_slice %get3A_10 {offsets = [1, 0], sizes = [1, 144], strides = [1, 1]} : vector<8x144xf32> to vector<1x144xf32>
    %mul3A_38 = vector.broadcast %slice3A_36 : vector<1000x1xf32> to vector<1000x144xf32>
    %mul3A_39 = vector.broadcast %slice3A_37 : vector<1x144xf32> to vector<1000x144xf32>
    %mul3A_40 = arith.mulf %mul3A_38, %mul3A_39 : vector<1000x144xf32>
    %add3A_41 = arith.addf %add3A, %mul3A_40 : vector<1000x144xf32>
    %slice3A_42 = vector.extract_strided_slice %get3A_23 {offsets = [0, 1], sizes = [1000, 1], strides = [1, 1]} : vector<1000x3xf32> to vector<1000x1xf32>
    %slice3A_43 = vector.extract_strided_slice %get3A_13 {offsets = [1, 0], sizes = [1, 128], strides = [1, 1]} : vector<8x128xf32> to vector<1x128xf32>
    %mul3A_44 = vector.broadcast %slice3A_42 : vector<1000x1xf32> to vector<1000x128xf32>
    %mul3A_45 = vector.broadcast %slice3A_43 : vector<1x128xf32> to vector<1000x128xf32>
    %mul3A_46 = arith.mulf %mul3A_44, %mul3A_45 : vector<1000x128xf32>
    %sub3A_47 = arith.subf %sub3A_35, %mul3A_46 : vector<1000x128xf32>
    %slice3A_48 = vector.extract_strided_slice %get3A_18 {offsets = [0, 2], sizes = [1000, 1], strides = [1, 1]} : vector<1000x3xf32> to vector<1000x1xf32>
    %slice3A_49 = vector.extract_strided_slice %get3A_10 {offsets = [2, 0], sizes = [1, 144], strides = [1, 1]} : vector<8x144xf32> to vector<1x144xf32>
    %mul3A_50 = vector.broadcast %slice3A_48 : vector<1000x1xf32> to vector<1000x144xf32>
    %mul3A_51 = vector.broadcast %slice3A_49 : vector<1x144xf32> to vector<1000x144xf32>
    %mul3A_52 = arith.mulf %mul3A_50, %mul3A_51 : vector<1000x144xf32>
    %add3A_53 = arith.addf %add3A_41, %mul3A_52 : vector<1000x144xf32>
    %slice3A_54 = vector.extract_strided_slice %get3A_23 {offsets = [0, 2], sizes = [1000, 1], strides = [1, 1]} : vector<1000x3xf32> to vector<1000x1xf32>
    %slice3A_55 = vector.extract_strided_slice %get3A_13 {offsets = [2, 0], sizes = [1, 128], strides = [1, 1]} : vector<8x128xf32> to vector<1x128xf32>
    %mul3A_56 = vector.broadcast %slice3A_54 : vector<1000x1xf32> to vector<1000x128xf32>
    %mul3A_57 = vector.broadcast %slice3A_55 : vector<1x128xf32> to vector<1000x128xf32>
    %mul3A_58 = arith.mulf %mul3A_56, %mul3A_57 : vector<1000x128xf32>
    %sub3A_59 = arith.subf %sub3A_47, %mul3A_58 : vector<1000x128xf32>
    %iota3A = tpu.iota {dimensions = array<i32: 1>} : vector<1000x144xi32>
    %eq3A = arith.constant 128 : i32
    %eq3A_60 = vector.broadcast %eq3A : i32 to vector<1000x144xi32>
    %eq3A_61 = arith.cmpi eq, %iota3A, %eq3A_60 : vector<1000x144xi32>
    %convert_element_type3A = arith.extui %eq3A_61 : vector<1000x144xi1> to vector<1000x144xi32>
    %convert_element_type3A_62 = arith.sitofp %convert_element_type3A : vector<1000x144xi32> to vector<1000x144xf32>
    %add3A_63 = arith.addf %add3A_53, %convert_element_type3A_62 : vector<1000x144xf32>
    %swap3A = arith.constant 0 : index
    %swap3A_64 = arith.constant 0 : index
    %swap3A_65 = vector.load %arg8[%swap3A, %swap3A_64] : memref<1000x144xf32, #tpu.memory_space<vmem>>, vector<1000x144xf32>
    tpu.vector_store %arg8[%swap3A, %swap3A_64], %add3A_63 {strides = array<i32>} : memref<1000x144xf32, #tpu.memory_space<vmem>>, vector<1000x144xf32>,
    %swap3A_66 = arith.constant 0 : index
    %swap3A_67 = arith.constant 0 : index
    %swap3A_68 = vector.load %arg9[%swap3A_66, %swap3A_67] : memref<1000x128xf32, #tpu.memory_space<vmem>>, vector<1000x128xf32>
    tpu.vector_store %arg9[%swap3A_66, %swap3A_67], %sub3A_59 {strides = array<i32>} : memref<1000x128xf32, #tpu.memory_space<vmem>>, vector<1000x128xf32>,
    return
  }
  func.func @transform_0(%arg0: i32) -> (i32, i32, i32) {
    %c0_i32 = arith.constant 0 : i32
    %c0_i32_0 = arith.constant 0 : i32
    %c0_i32_1 = arith.constant 0 : i32
    return %c0_i32, %arg0, %c0_i32_0 : i32, i32, i32
  }
  func.func @transform_1(%arg0: i32) -> (i32, i32, i32) {
    %c0_i32 = arith.constant 0 : i32
    %c0_i32_0 = arith.constant 0 : i32
    %c0_i32_1 = arith.constant 0 : i32
    return %c0_i32, %arg0, %c0_i32_0 : i32, i32, i32
  }
  func.func @transform_2(%arg0: i32) -> (i32, i32, i32) {
    %c1_i32 = arith.constant 1 : i32
    %c0_i32 = arith.constant 0 : i32
    %c0_i32_0 = arith.constant 0 : i32
    return %c1_i32, %arg0, %c0_i32 : i32, i32, i32
  }
  func.func @transform_3(%arg0: i32) -> (i32, i32) {
    %c0_i32 = arith.constant 0 : i32
    %c0_i32_0 = arith.constant 0 : i32
    %c0_i32_1 = arith.constant 0 : i32
    return %c0_i32, %c0_i32_0 : i32, i32
  }
  func.func @transform_4(%arg0: i32) -> (i32, i32) {
    %c0_i32 = arith.constant 0 : i32
    %c0_i32_0 = arith.constant 0 : i32
    %c0_i32_1 = arith.constant 0 : i32
    return %c0_i32, %c0_i32_0 : i32, i32
  }
  func.func @transform_5(%arg0: i32) -> (i32, i32) {
    %c0_i32 = arith.constant 0 : i32
    %c0_i32_0 = arith.constant 0 : i32
    %c0_i32_1 = arith.constant 0 : i32
    return %c0_i32, %c0_i32_0 : i32, i32
  }
  func.func @transform_6(%arg0: i32) -> (i32, i32) {
    %c0_i32 = arith.constant 0 : i32
    %c0_i32_0 = arith.constant 0 : i32
    %c0_i32_1 = arith.constant 0 : i32
    return %c0_i32, %c0_i32_0 : i32, i32
  }
  func.func @transform_7(%arg0: i32) -> (i32, i32) {
    %c0_i32 = arith.constant 0 : i32
    %c0_i32_0 = arith.constant 0 : i32
    return %arg0, %c0_i32 : i32, i32
  }
  func.func @transform_8(%arg0: i32) -> (i32, i32) {
    %c0_i32 = arith.constant 0 : i32
    %c0_i32_0 = arith.constant 0 : i32
    return %arg0, %c0_i32 : i32, i32
  }
}

module attributes {stable_mosaic.version = 14 : i64} {
  func.func @_combine_body(%arg0: i32, %arg1: memref<1000x144xf32, #tpu.memory_space<vmem>>, %arg2: memref<1000x144xf32, #tpu.memory_space<vmem>>, %arg3: memref<1000x128xf32, #tpu.memory_space<vmem>>, %arg4: memref<1000x128xf32, #tpu.memory_space<vmem>>) attributes {dimension_semantics = [#tpu.dimension_semantics<arbitrary>], iteration_bounds = array<i64: 10>, scalar_prefetch = 0 : i64, scratch_operands = 0 : i64, tpu.core_type = #tpu.core_type<tc>, window_params = [{transform_indices = @transform_0, window_bounds = array<i64: 1000, 144>}, {transform_indices = @transform_1, window_bounds = array<i64: 1000, 144>}, {transform_indices = @transform_2, window_bounds = array<i64: 1000, 128>}, {transform_indices = @transform_3, window_bounds = array<i64: 1000, 128>}]} {
    %get3A = arith.constant 0 : index
    %get3A_0 = arith.constant 0 : index
    %get3A_1 = vector.load %arg1[%get3A, %get3A_0] : memref<1000x144xf32, #tpu.memory_space<vmem>>, vector<1000x144xf32>
    %get3A_2 = arith.constant 0 : index
    %get3A_3 = arith.constant 0 : index
    %get3A_4 = vector.load %arg2[%get3A_2, %get3A_3] : memref<1000x144xf32, #tpu.memory_space<vmem>>, vector<1000x144xf32>
    %slice3A = vector.extract_strided_slice %get3A_1 {offsets = [0, 128], sizes = [1000, 1], strides = [1, 1]} : vector<1000x144xf32> to vector<1000x1xf32>
    %slice3A_5 = vector.extract_strided_slice %get3A_4 {offsets = [0, 128], sizes = [1000, 1], strides = [1, 1]} : vector<1000x144xf32> to vector<1000x1xf32>
    %add3A = arith.addf %slice3A, %slice3A_5 : vector<1000x1xf32>
    %slice3A_6 = vector.extract_strided_slice %get3A_1 {offsets = [0, 0], sizes = [1000, 128], strides = [1, 1]} : vector<1000x144xf32> to vector<1000x128xf32>
    %slice3A_7 = vector.extract_strided_slice %get3A_4 {offsets = [0, 0], sizes = [1000, 128], strides = [1, 1]} : vector<1000x144xf32> to vector<1000x128xf32>
    %add3A_8 = arith.addf %slice3A_6, %slice3A_7 : vector<1000x128xf32>
    %get3A_9 = arith.constant 0 : index
    %get3A_10 = arith.constant 0 : index
    %get3A_11 = vector.load %arg3[%get3A_9, %get3A_10] : memref<1000x128xf32, #tpu.memory_space<vmem>>, vector<1000x128xf32>
    %mul3A = vector.broadcast %add3A : vector<1000x1xf32> to vector<1000x128xf32>
    %mul3A_12 = arith.mulf %mul3A, %get3A_11 : vector<1000x128xf32>
    %add3A_13 = arith.addf %add3A_8, %mul3A_12 : vector<1000x128xf32>
    %swap3A = arith.constant 0 : index
    %swap3A_14 = arith.constant 0 : index
    %swap3A_15 = vector.load %arg4[%swap3A, %swap3A_14] : memref<1000x128xf32, #tpu.memory_space<vmem>>, vector<1000x128xf32>
    tpu.vector_store %arg4[%swap3A, %swap3A_14], %add3A_13 {strides = array<i32>} : memref<1000x128xf32, #tpu.memory_space<vmem>>, vector<1000x128xf32>,
    return
  }
  func.func @transform_0(%arg0: i32) -> (i32, i32) {
    %c0_i32 = arith.constant 0 : i32
    %c0_i32_0 = arith.constant 0 : i32
    return %arg0, %c0_i32 : i32, i32
  }
  func.func @transform_1(%arg0: i32) -> (i32, i32) {
    %c0_i32 = arith.constant 0 : i32
    %c0_i32_0 = arith.constant 0 : i32
    return %arg0, %c0_i32 : i32, i32
  }
  func.func @transform_2(%arg0: i32) -> (i32, i32) {
    %c0_i32 = arith.constant 0 : i32
    %c0_i32_0 = arith.constant 0 : i32
    return %arg0, %c0_i32 : i32, i32
  }
  func.func @transform_3(%arg0: i32) -> (i32, i32) {
    %c0_i32 = arith.constant 0 : i32
    %c0_i32_0 = arith.constant 0 : i32
    return %arg0, %c0_i32 : i32, i32
  }
}

</mosaic_0001>

<sc_bundles>
// kernel: kernel.5.cloned.1.call-start
scs
__scs_entry_jumppad:
0x0: {  	(pc) =	sbr.rel $0x88, $3  }
0x1: {  	(tag) =	ssettag $0x0;
	lr =	simm.s32 $0x1  }
0x2: {  	[smem:$0x3F9C] =	sst lr;
	_ =	strace $0xD0000000  }
0x3: {  	_ = 	snop  }
0x4: {  	_ = 	snop  }
0x5: {  	_ = 	snop  }
0x6: {  	_ = 	snop  }
0x7: {  	_ = 	snop  }
__scs_overlays_trampoline_lowered:
0x8: {  	[smem:$0x3FAB] =	sst s0  }
0x9: {  	[smem:$0x3FAC] =	sst s1  }
0xa: {  	[smem:$0x3FAD] =	sst s2  }
0xb: {  	[smem:$0x3FAE] =	sst s3  }
0xc: {  	[smem:$0x3FAF] =	sst s4  }
0xd: {  	[smem:$0x3FB0] =	sst s5  }
0xe: {  	[smem:$0x3FB1] =	sst s6  }
0xf: {  	[smem:$0x3FB2] =	sst s7  }
0x10: {  	[smem:$0x3FB3] =	sst s8  }
0x11: {  	[smem:$0x3FB4] =	sst s9;
	s0 =	simm.s32 @!p0 $0x0  }
0x12: {  	s1 =	sld [smem:$0x3F9A];
	s0 =	simm.s32 @p0 $0x1  }
0x13: {  	[smem:$0x3FB5] =	sst s0;
	s0 =	simm.s32 @!p1 $0x0  }
0x14: {  	s2 =	sld [smem:$0x3F99];
	s0 =	simm.s32 @p1 $0x1  }
0x15: {  	[smem:$0x3FB6] =	sst s0;
	s0 =	simm.s32 @!p2 $0x0  }
0x16: {  	s3 =	sld [smem:$0x3FDB];
	s0 =	simm.s32 @p2 $0x1  }
0x17: {  	s4 =	simm.s32 $0x1BF5;
	[smem:$0x3FB8] =	sst s0  }
0x18: {  	s0 =	sld [smem:$0x3F9B];
	_ =	swait.ge [sflag:s4], $0x0  }
0x19: {  	s7 =	sld [smem:$0x3F9C]  }
0x1a: {  	s8 =	sadd.s32 $0xFFFFE003, lr  }
0x1b: {  	s9 =	sadd.s32 $0xFFFFFEF7, lr;
	s5 =	simm.s32 $0xFFFFFFFF;
	p2 =	slt.u32 s8, $0xFFFFF086  }
0x1c: {  	p1 =	slt.u32 s9, $0xF7A;
	s5 =	simm.s32 @!p2 $0x0  }
0x1d: {  	s5 =	simm.s32 @p1 $0x1;
	p0 =	seq.s32 s7, s2  }
0x1e: {  	s7 =	smul.u32 @!p0 $0xF7A, s2;
	p2 =	seq.s32 @!p0 s5, $0x0  }
0x1f: {  	s9 =	smul.u32 $0xF7A, s1;
	s8 =	simm.s32 @!p0 $0x1BF5;
	p2 =	por !p2, p0  }
0x20: {  	[sflag:s8] =	ssyncset.s32 @!p0 $0xFFFFF086;
	s6 =	sadd.s32 @!p0 s3, s7;
	s7 =	simm.s32 @!p0 $0x108  }
0x21: {  	s3 =	sadd.s32 s3, s9;
	s6 =	sadd.s32 @!p0 $0x88, s6;
	s7 =	simm.s32 @p2 $0x1082  }
0x22: {  	[simem:s7], [sflag:s8] =	dma.local @!p0 [hbm:s6], $0xF7A  }
0x23: {  	s9 =	sor.u32 $0xD0000000, s2;
	s6 =	simm.s32 $0x108;
	_ =	swait.ge @!p0 [sflag:s8], $0x0  }
0x24: {  	s3 =	sadd.s32 $0x88, s3;
	s6 =	simm.s32 @!p1 $0x1082;
	[sflag:s4] =	ssyncset.s32 $0xFFFFF086  }
0x25: {  	[simem:s6], [sflag:s4] =	dma.local [hbm:s3], $0xF7A  }
0x26: {  	[smem:$0x3F9C] =	sst s1;
	(tag) =	ssettag s2;
	_ =	strace s9  }
0x27: {  	s1 =	sld [smem:$0x3FAC]  }
0x28: {  	s2 =	sld [smem:$0x3FAD]  }
0x29: {  	s4 =	sld [smem:$0x3FAF]  }
0x2a: {  	p0 =	seq.s32 s5, $0x0;
	s5 =	sld [smem:$0x3FB0]  }
0x2b: {  	s6 =	sld [smem:$0x3FB1]  }
0x2c: {  	s7 =	sld [smem:$0x3FB2]  }
0x2d: {  	s3 =	simm.s32 $0x108;
	s8 =	sld [smem:$0x3FB3]  }
0x2e: {  	s3 =	simm.s32 @!p0 $0x1082;
	s9 =	sld [smem:$0x3FB4]  }
0x2f: {  	lr =	sadd.s32 s0, s3;
	s0 =	sld [smem:$0x3FAB]  }
0x30: {  	s3 =	sld [smem:$0x3FAE]  }
0x31: {  	[smem:$0x3FB7] =	sst s10  }
0x32: {  	s10 =	sld [smem:$0x3FB5];
	_ =	sdelay $0x3  }
0x33: {  	p0 =	seq.s32 s10, $0x1;
	s10 =	sld [smem:$0x3FB7];
	_ =	sdelay $0x3  }
0x34: {  	[smem:$0x3FB7] =	sst s10  }
0x35: {  	s10 =	sld [smem:$0x3FB6];
	_ =	sdelay $0x3  }
0x36: {  	p1 =	seq.s32 s10, $0x1;
	s10 =	sld [smem:$0x3FB7];
	_ =	sdelay $0x3  }
0x37: {  	[smem:$0x3FB7] =	sst s10  }
0x38: {  	s10 =	sld [smem:$0x3FB8]  }
0x39: {  	_ = 	snop;
	(pc) =	sbr.ind lr, $3  }
0x3a: {  	_ = 	snop  }
0x3b: {  	_ = 	snop  }
0x3c: {  	p2 =	seq.s32 s10, $0x1;
	s10 =	sld [smem:$0x3FB7]  }
0x3d: {  	_ =	shalt  }
0x3e: {  	_ =	shalt  }
0x3f: {  	_ =	shalt  }
0x40: {  	_ =	shalt  }
0x41: {  	_ =	shalt  }
0x42: {  	_ =	shalt  }
0x43: {  	_ =	shalt  }
0x44: {  	_ =	shalt  }
0x45: {  	_ =	shalt  }
0x46: {  	_ =	shalt  }
0x47: {  	_ =	shalt  }
0x48: {  	_ =	shalt  }
0x49: {  	_ =	shalt  }
0x4a: {  	_ =	shalt  }
0x4b: {  	_ =	shalt  }
0x4c: {  	_ =	shalt  }
0x4d: {  	_ =	shalt  }
0x4e: {  	_ =	shalt  }
0x4f: {  	_ =	shalt  }
0x50: {  	_ =	shalt  }
0x51: {  	_ =	shalt  }
0x52: {  	_ =	shalt  }
0x53: {  	_ =	shalt  }
0x54: {  	_ =	shalt  }
0x55: {  	_ =	shalt  }
0x56: {  	_ =	shalt  }
0x57: {  	_ =	shalt  }
0x58: {  	_ =	shalt  }
0x59: {  	_ =	shalt  }
0x5a: {  	_ =	shalt  }
0x5b: {  	_ =	shalt  }
0x5c: {  	_ =	shalt  }
0x5d: {  	_ =	shalt  }
0x5e: {  	_ =	shalt  }
0x5f: {  	_ =	shalt  }
0x60: {  	_ =	shalt  }
0x61: {  	_ =	shalt  }
0x62: {  	_ =	shalt  }
0x63: {  	_ =	shalt  }
0x64: {  	_ =	shalt  }
0x65: {  	_ =	shalt  }
0x66: {  	_ =	shalt  }
0x67: {  	_ =	shalt  }
0x68: {  	_ =	shalt  }
0x69: {  	_ =	shalt  }
0x6a: {  	_ =	shalt  }
0x6b: {  	_ =	shalt  }
0x6c: {  	_ =	shalt  }
0x6d: {  	_ =	shalt  }
0x6e: {  	_ =	shalt  }
0x6f: {  	_ =	shalt  }
0x70: {  	_ =	shalt  }
0x71: {  	_ =	shalt  }
0x72: {  	_ =	shalt  }
0x73: {  	_ =	shalt  }
0x74: {  	_ =	shalt  }
0x75: {  	_ =	shalt  }
0x76: {  	_ =	shalt  }
0x77: {  	_ =	shalt  }
0x78: {  	_ =	shalt  }
0x79: {  	_ =	shalt  }
0x7a: {  	_ =	shalt  }
0x7b: {  	_ =	shalt  }
0x7c: {  	_ =	shalt  }
0x7d: {  	_ =	shalt  }
0x7e: {  	_ =	shalt  }
0x7f: {  	_ =	shalt  }
0x80: {  	_ =	shalt  }
0x81: {  	_ =	shalt  }
0x82: {  	_ =	shalt  }
0x83: {  	_ =	shalt  }
0x84: {  	_ =	shalt  }
0x85: {  	_ =	shalt  }
0x86: {  	_ =	shalt  }
0x87: {  	_ =	shalt  }
.Lfunc_end0:
.L_simem_size_0:
called_computation_lowered:
.L_overlay_start_0:
0x88: {  	s2 =	sld [smem:$0x3FD9]  }
0x89: {  	s3 =	sld [smem:$0x3FFE];
	_ =	sdelay $0x1  }
0x8a: {  	s1 =	srdreg.scid  }
0x8b: {  	s0 =	sand.u32 $0x1, s1  }
0x8c: {  	s17 =	sshll.u32 s0, $0xA;
	s2 =	sadd.s32 s3, s2  }
0x8d: {  	s2 =	sadd.s32 s2, s17  }
0x8e: {  	[smem:$0x3FC3] =	sst s2  }
0x8f: {  	_ = 	snop  }
0x90: {  	s2 =	sld [smem:$0x3FD0];
	(tm) =	ssettm $0x1  }
0x91: {  	s18 =	sld [smem:$0x3FFB];
	_ =	sdelay $0x3  }
0x92: {  	_ =	strace s18  }
0x93: {  	s3 =	sld [smem:$0x3FFC];
	_ =	sdelay $0x3  }
0x94: {  	_ =	strace s3  }
0x95: {  	s3 =	sld [smem:$0x3FFD];
	_ =	sdelay $0x3  }
0x96: {  	_ =	strace s3  }
0x97: {  	_ =	strace $0x8FFFFFFF  }
0x98: {  	s19 =	sld [smem:$0x3FDB];
	_ =	sdelay $0x1  }
0x99: {  	s4 =	simm.s32 $_scs_section_size  }
0x9a: {  	s5 =	simm.s32 $_size__tile_overlayer_lowered;
	s6 =	simm.s32 $_tile_overlayer_lowered  }
0x9b: {  	s22 =	simm.s32 $0x1BFF;
	s21 =	sshll.u32 s6, $0x1;
	s3 =	sadd.s32 s4, s19  }
0x9c: {  	s7 =	simm.s32 $0x0;
	s20 =	sshll.u32 s5, $0x1;
	s5 =	sadd.s32 s21, s3  }
0x9d: {  	[timem:s7], [sflag:s22] =	dma.local [hbm:s5], s20  }
0x9e: {  	_ =	swait.ge [sflag:s22], s20  }
0x9f: {  	s4 =	ssub.s32 $0x0, s20;
	[sflag:s22] =	ssyncset.done $0x0  }
0xa0: {  	[sflag:s22] =	ssyncadd.s32 s4;
	_ =	sdelay $0x1  }
0xa1: {  	s23 =	simm.s32 $0x1B8B  }
0xa2: {  	_ =	swait.ge [sflag:s23], $0x1  }
0xa3: {  	[sflag:s23] =	ssyncset.done $0x0  }
0xa4: {  	s25 =	simm.s32 $0x1B8E;
	s24 =	sld [smem:$0x3FFE];
	[sflag:s23] =	ssyncadd.s32 $0xFFFFFFFF  }
0xa5: {  	s26 =	simm.s32 $execute0_lowered;
	[smem:$0x3FD2] =	sst s25  }
0xa6: {  	s5 =	sshll.u32 s26, $0x1;
	_ =	strace $0x80000046;
	[dreg:$0x1] =	wrdreg $0xFFFFFFFF  }
0xa7: {  	s28 =	simm.s32 $_size_execute0_lowered;
	s3 =	sadd.s32 s3, s5;
	[dreg:$0x0] =	wrdreg $0x0  }
0xa8: {  	s5 =	sshll.u32 s28, $0x1;
	[dreg:$0x2] =	wrdreg s3  }
0xa9: {  	[dreg:$0x3] =	wrdreg s5  }
0xaa: {  	[dreg:$0x4] =	wrdreg $0xC0  }
0xab: {  	_ =	task [dreg:s7], $0x5FFFF  }
0xac: {  	[dreg:$0x1] =	wrdreg $0xFFFFFFFF  }
0xad: {  	[dreg:$0x0] =	wrdreg $0x60  }
0xae: {  	[dreg:$0x2] =	wrdreg s24  }
0xaf: {  	[dreg:$0x3] =	wrdreg s2  }
0xb0: {  	[dreg:$0x4] =	wrdreg $0x8DC00  }
0xb1: {  	[dreg:$0x5] =	wrdreg $0x9  }
0xb2: {  	_ =	task.clear_ibuf [dreg:s7], $0x6FFFF;
	_ =	strace $0x90000046  }
0xb3: {  	s29 =	simm.s32 $0x9;
	_ =	strace $0x80000048  }
0xb4: {  	_ =	swait.ge [sflag:s29], $0x1  }
0xb5: {  	[sflag:s29] =	ssyncadd.s32 $0xFFFFFFFF  }
0xb6: {  	_ =	strace $0x90000048  }
0xb7: {  	_ =	sfence  }
0xb8: {  	s30 =	sld [smem:$0x0];
	_ =	sdelay $0x2  }
0xb9: {  	s31 =	sshll.u32 s1, $0xD;
	s1 =	sshrl.u32 s1, $0x2  }
0xba: {  	s3 =	sand.u32 $0x4000, s31;
	s1 =	sadd.s32 s1, s30  }
0xbb: {  	s0 =	sor.u32 s3, s0;
	s1 =	sshll.u32 s1, $0x11  }
0xbc: {  	s0 =	sor.u32 s1, s0  }
0xbd: {  	s0 =	sadd.s32 $0x8F2B, s0  }
0xbe: {  	[sflag:s0] =	ssyncadd.remote.s32 $0x1  }
0xbf: {  	_ =	sfence.sel $0xFFFF  }
0xc0: {  	[dreg:$0x0] =	wrdreg $0xFFFFFFFF;
	(pc) =	sbr.abs _section_cstart, $3  }
0xc1: {  	[dreg:$0x1] =	wrdreg $0xFFFFFFFF  }
0xc2: {  	_ =	task.clear_ibuf [dreg:s7], $0x2FFFF;
	_ =	strace $0x9FFFFFFF  }
0xc3: {  	(tm) =	ssettm $0x7FFFFFFF  }
tec
execute0_lowered:
.L_overlay_start_1:
0x0: {  	(tag) =	ssettag $0x1  }
0x1: {  	s0 =	rddreg [dreg:$0x0]  }
0x2: {  	s1 =	rddreg [dreg:$0x1]  }
0x3: {  	s3 =	rddreg [dreg:$0x2]  }
0x4: {  	s4 =	simm.s32 $0x0;
	s10 =	stileid.u32;
	s2 =	srdreg.scid  }
0x5: {  	s28 =	simm.s32 $0x38;
	s29 =	simm.s32 $0x2F40;
	s30 =	simm.s32 $0x70  }
0x6: {  	s31 =	simm.s32 $0x4EC0;
	s11 =	simm.s32 $0x118;
	s12 =	simm.s32 $0x888  }
0x7: {  	[smem:$0x7FF] =	sst s4;
	s6 =	smul.u32 $0x5B200, s10;
	s5 =	sadd.s32 $0x1000, s0  }
0x8: {  	s2 =	sand.u32 $0x1, s2;
	s7 =	sadd.s32 $0x5A000, s0;
	s0 =	sadd.s32 $0x2D000, s0  }
0x9: {  	s24 =	sshll.u32 s10, $0x1;
	s25 =	smul.u32 $0x16800, s10;
	s6 =	sshrl.u32 s6, $0x2  }
0xa: {  	s10 =	sshll.u32 s10, $0x3;
	_ =	strace $0x80000047;
	s6 =	sadd.s32 s6, s3  }
0xb: {  	s8 =	ssub.s32 $0x2, s2;
	p0 =	seq.s32 s2, $0x0;
	s13 =	sadd.s32 $0x1F80, s6  }
0xc: {  	s2 =	simm.s32 $0x6E40;
	s14 =	sadd.s32 $0x3F00, s6;
	[dreg:$0x4] =	wrdreg s13  }
0xd: {  	s9 =	sshrl.u32 s8, $0x1;
	s15 =	sadd.s32 $0x5E80, s6;
	[dreg:$0x5] =	wrdreg s14  }
0xe: {  	s26 =	sshrl.u32 s25, $0x3;
	s16 =	sadd.s32 $0x7E00, s6;
	[dreg:$0x6] =	wrdreg s15  }
0xf: {  	s0 =	smov.u32 @p0 s7;
	s17 =	sadd.s32 $0x9D80, s6;
	[dreg:$0x7] =	wrdreg s16  }
0x10: {  	s7 =	simm.s32 $0x818;
	s18 =	sadd.s32 $0xBD00, s6;
	[dreg:$0x8] =	wrdreg s17  }
0x11: {  	s8 =	ssub.s32 s8, s9;
	s19 =	sadd.s32 $0xDC80, s6;
	[dreg:$0x9] =	wrdreg s18  }
0x12: {  	s9 =	sadd.s32 s25, s3;
	s20 =	sadd.s32 $0xFC00, s6;
	[dreg:$0xa] =	wrdreg s19  }
0x13: {  	s21 =	sadd.s32 $0x11B80, s6;
	s22 =	sadd.s32 $0x13B00, s6;
	[dreg:$0xb] =	wrdreg s20  }
0x14: {  	s23 =	sadd.s32 $0x15A80, s6;
	s8 =	smax.u32 s8, $0x1;
	[dreg:$0xc] =	wrdreg s21  }
0x15: {  	s25 =	sshrl.u32 s9, $0x3;
	s9 =	simm.s32 $0xE0;
	[dreg:$0xd] =	wrdreg s22  }
.Ltmp0:
0x16: {  	[dreg:$0xe] =	wrdreg s23;
	s18 =	sor.u32 $0x80, s24;
	(pc) =	sbr.rel .LBB2_1-.Ltmp0, $4  }
0x17: {  	s19 =	simm.s32 $0x8;
	[dreg:$0xf] =	wrdreg s8;
	s21 =	sadd.s32 s0, s26  }
0x18: {  	s22 =	simm.s32 $0xFC0;
	s23 =	simm.s32 $0x1;
	s24 =	simm.s32 $0x3  }
0x19: {  	s26 =	simm.s32 $0x7E0;
	s0 =	simm.s32 $0xA8;
	s8 =	simm.s32 $0x2  }
0x1a: {  	v0 =	vimm.f32 $0.0e+00;
	s18 =	smov.u32 @p0 s10;
	s19 =	simm.s32 @!p0 $0x2;
	s10 =	simm.s32 $0x850  }
.LBB2_8:
0x1b: {  	s13 =	stileid.u32  }
0x1c: {  	s13 =	sshll.u32 s13, $0x6  }
0x1d: {  	[bflag:$0x0] =	sbarrier.arrive $0xFFFF;
	s13 =	sor.u32 $0x1C03, s13  }
0x1e: {  	[hbm:s21], [sflag:s13] =	dma.local [spmem:s25], $0x2D00  }
0x1f: {  	_ =	swait.ge [sflag:s24], $0x2D00  }
0x20: {  	s4 =	sadd.s32 $0x1, s4;
	s20 =	rddreg [dreg:$0xf]  }
0x21: {  	p0 =	sne.s32 s4, s20  }
.Ltmp1:
0x22: {  	_ = 	snop;
	(pc) =	sbr.rel @!p0 .LBB2_9-.Ltmp1, $3  }
0x23: {  	_ =	sdelay $0x1  }
0x24: {  	[sflag:s24] =	ssyncset.done $0x0  }
0x25: {  	[sflag:s24] =	ssyncadd.s32 $0xFFFFD300  }
.LBB2_1:
0x26: {  	s13 =	simm.s32 $0x0;
	s14 =	simm.s32 $0x240  }
.LBB2_2:
0x27: {  	p0 =	sne.s32 s14, $0x7BC0;
	[tilespmem:s13+$0x1040] =	vst v0  }
0x28: {  	[tilespmem:s13+$0xFC0] =	vst v0  }
0x29: {  	[tilespmem:s13+$0xFD0] =	vst v0  }
0x2a: {  	[tilespmem:s13+$0xFE0] =	vst v0  }
.Ltmp2:
0x2b: {  	[tilespmem:s13+$0xFF0] =	vst v0;
	(pc) =	sbr.rel @p0 .LBB2_2-.Ltmp2, $4  }
0x2c: {  	[tilespmem:s13+$0x1000] =	vst v0  }
0x2d: {  	[tilespmem:s13+$0x1010] =	vst v0  }
0x2e: {  	[tilespmem:s13+$0x1020] =	vst v0  }
0x2f: {  	[tilespmem:s13+$0x1030] =	vst v0;
	s13 =	sshra.s32 s14, $0x2;
	s14 =	sadd.s32 $0x240, s14  }
0x30: {  	[tilespmem:s13+$0x1040] =	vst v0  }
0x31: {  	[tilespmem:s13+$0xFC0] =	vst v0  }
0x32: {  	[tilespmem:s13+$0xFD0] =	vst v0  }
0x33: {  	[tilespmem:s13+$0xFE0] =	vst v0  }
0x34: {  	[tilespmem:s13+$0xFF0] =	vst v0  }
0x35: {  	[tilespmem:s13+$0x1000] =	vst v0  }
0x36: {  	[tilespmem:s13+$0x1010] =	vst v0  }
0x37: {  	[tilespmem:s13+$0x1020] =	vst v0  }
0x38: {  	[tilespmem:s13+$0x1030] =	vst v0  }
0x39: {  	[spmem:s6] =	stream.linear.scatter [tilespmem:s22], [sflag:$0x1], $0x1F80, $0x38;
	[tilespmem:$0x1FA40] =	vst v63  }
0x3a: {  	s20 =	rddreg [dreg:$0x4]  }
0x3b: {  	[spmem:s20] =	stream.linear.scatter [tilespmem:s22], [sflag:$0x1], $0x1F80, $0x38;
	[tilespmem:$0x1FA40] =	vst v63  }
0x3c: {  	s14 =	rddreg [dreg:$0x5]  }
0x3d: {  	[spmem:s14] =	stream.linear.scatter [tilespmem:s22], [sflag:$0x1], $0x1F80, $0x38;
	[tilespmem:$0x1FA40] =	vst v63  }
0x3e: {  	s15 =	rddreg [dreg:$0x6]  }
0x3f: {  	[spmem:s15] =	stream.linear.scatter [tilespmem:s22], [sflag:$0x1], $0x1F80, $0x38;
	[tilespmem:$0x1FA40] =	vst v63  }
0x40: {  	s16 =	rddreg [dreg:$0x7]  }
0x41: {  	[spmem:s16] =	stream.linear.scatter [tilespmem:s22], [sflag:$0x1], $0x1F80, $0x38;
	[tilespmem:$0x1FA40] =	vst v63  }
0x42: {  	s17 =	rddreg [dreg:$0x8]  }
0x43: {  	[spmem:s17] =	stream.linear.scatter [tilespmem:s22], [sflag:$0x1], $0x1F80, $0x38;
	[tilespmem:$0x1FA40] =	vst v63  }
0x44: {  	s20 =	rddreg [dreg:$0x9]  }
0x45: {  	[spmem:s20] =	stream.linear.scatter [tilespmem:s22], [sflag:$0x1], $0x1F80, $0x38;
	[tilespmem:$0x1FA40] =	vst v63  }
0x46: {  	s14 =	rddreg [dreg:$0xa]  }
0x47: {  	[spmem:s14] =	stream.linear.scatter [tilespmem:s22], [sflag:$0x1], $0x1F80, $0x38;
	[tilespmem:$0x1FA40] =	vst v63  }
0x48: {  	s15 =	rddreg [dreg:$0xb]  }
0x49: {  	[spmem:s15] =	stream.linear.scatter [tilespmem:s22], [sflag:$0x1], $0x1F80, $0x38;
	[tilespmem:$0x1FA40] =	vst v63  }
0x4a: {  	s16 =	rddreg [dreg:$0xc]  }
0x4b: {  	[spmem:s16] =	stream.linear.scatter [tilespmem:s22], [sflag:$0x1], $0x1F80, $0x38;
	[tilespmem:$0x1FA40] =	vst v63  }
0x4c: {  	s17 =	rddreg [dreg:$0xd]  }
0x4d: {  	[spmem:s17] =	stream.linear.scatter [tilespmem:s22], [sflag:$0x1], $0x1F80, $0x38;
	[tilespmem:$0x1FA40] =	vst v63  }
0x4e: {  	s20 =	rddreg [dreg:$0xe]  }
0x4f: {  	[spmem:s20] =	stream.linear.scatter [tilespmem:s22], [sflag:$0x1], $0x1200, $0x38;
	[tilespmem:$0x1FA40] =	vst v63  }
0x50: {  	_ =	swait.ge [sflag:s23], $0x1F80  }
0x51: {  	[sflag:s23] =	ssyncset.done $0x0  }
0x52: {  	[sflag:s23] =	ssyncadd.s32 $0xFFFFE080  }
0x53: {  	_ =	swait.ge [sflag:s23], $0x1F80  }
0x54: {  	[sflag:s23] =	ssyncset.done $0x0  }
0x55: {  	[sflag:s23] =	ssyncadd.s32 $0xFFFFE080  }
0x56: {  	_ =	swait.ge [sflag:s23], $0x1F80  }
0x57: {  	[sflag:s23] =	ssyncset.done $0x0  }
0x58: {  	[sflag:s23] =	ssyncadd.s32 $0xFFFFE080  }
0x59: {  	_ =	swait.ge [sflag:s23], $0x1F80  }
0x5a: {  	[sflag:s23] =	ssyncset.done $0x0  }
0x5b: {  	[sflag:s23] =	ssyncadd.s32 $0xFFFFE080  }
0x5c: {  	_ =	swait.ge [sflag:s23], $0x1F80  }
0x5d: {  	[sflag:s23] =	ssyncset.done $0x0  }
0x5e: {  	[sflag:s23] =	ssyncadd.s32 $0xFFFFE080  }
0x5f: {  	_ =	swait.ge [sflag:s23], $0x1F80  }
0x60: {  	[sflag:s23] =	ssyncset.done $0x0  }
0x61: {  	[sflag:s23] =	ssyncadd.s32 $0xFFFFE080  }
0x62: {  	_ =	swait.ge [sflag:s23], $0x1F80  }
0x63: {  	[sflag:s23] =	ssyncset.done $0x0  }
0x64: {  	[sflag:s23] =	ssyncadd.s32 $0xFFFFE080  }
0x65: {  	_ =	swait.ge [sflag:s23], $0x1F80  }
0x66: {  	[sflag:s23] =	ssyncset.done $0x0  }
0x67: {  	[sflag:s23] =	ssyncadd.s32 $0xFFFFE080  }
0x68: {  	_ =	swait.ge [sflag:s23], $0x1F80  }
0x69: {  	[sflag:s23] =	ssyncset.done $0x0  }
0x6a: {  	[sflag:s23] =	ssyncadd.s32 $0xFFFFE080  }
0x6b: {  	_ =	swait.ge [sflag:s23], $0x1F80  }
0x6c: {  	[sflag:s23] =	ssyncset.done $0x0  }
0x6d: {  	[sflag:s23] =	ssyncadd.s32 $0xFFFFE080  }
0x6e: {  	_ =	swait.ge [sflag:s23], $0x1F80  }
0x6f: {  	[sflag:s23] =	ssyncset.done $0x0  }
0x70: {  	[sflag:s23] =	ssyncadd.s32 $0xFFFFE080  }
.Ltmp3:
0x71: {  	_ =	swait.ge [sflag:s23], $0x1200;
	(pc) =	sbr.rel .LBB2_4-.Ltmp3, $4  }
0x72: {  	[sflag:s23] =	ssyncset.done $0x0  }
0x73: {  	[sflag:s23] =	ssyncadd.s32 $0xFFFFEE00  }
0x74: {  	[bflag:$0x0] =	sbarrier.arrive $0xFFFF  }
0x75: {  	s13 =	simm.s32 $0x0;
	s14 =	simm.s32 $0x0  }
.LBB2_7:
0x76: {  	[spmem:s3] =	stream.indirect.scatter.add.f32 [tilespmem:s31], [sflag:$0x2], $0x90, s17, s28, $0xb8;
	[tilespmem:$0x1FA40] =	vst v63  }
0x77: {  	_ =	swait.ge [sflag:s23], $0x1F80  }
0x78: {  	[sflag:s23] =	ssyncset.done $0x0  }
0x79: {  	[sflag:s23] =	ssyncadd.s32 $0xFFFFE080  }
0x7a: {  	_ =	swait.ge [sflag:s8], $0x1F80  }
0x7b: {  	[sflag:s8] =	ssyncset.done $0x0  }
0x7c: {  	s15 =	sadd.s32 $0x968, s16;
	s14 =	sadd.s32 $0x1, s14;
	[sflag:s8] =	ssyncadd.s32 $0xFFFFE080  }
0x7d: {  	[spmem:s3] =	stream.indirect.scatter.add.f32 [tilespmem:s2], [sflag:$0x2], $0x90, s15, s28, $0xb8;
	[tilespmem:$0x1FA40] =	vst v63  }
0x7e: {  	p0 =	sne.s32 s14, s19;
	_ =	swait.ge [sflag:s8], $0x1F80  }
.Ltmp4:
0x7f: {  	[sflag:s8] =	ssyncset.done $0x0;
	(pc) =	sbr.rel @!p0 .LBB2_8-.Ltmp4, $4  }
0x80: {  	[sflag:s8] =	ssyncadd.s32 $0xFFFFE080  }
0x81: {  	_ =	swait.ge [sflag:s8], $0x1F80  }
0x82: {  	[sflag:s8] =	ssyncset.done $0x0  }
0x83: {  	[sflag:s8] =	ssyncadd.s32 $0xFFFFE080  }
.LBB2_4:
0x84: {  	s15 =	sadd.s32 s18, s14  }
0x85: {  	s15 =	smul.u32 $0x7E0, s15;
	_ =	sdelay $0x1  }
0x86: {  	s15 =	sshrl.u32 s15, $0x3  }
0x87: {  	s15 =	sadd.s32 s1, s15  }
0x88: {  	[tilespmem:s13], [sflag:$0x3] =	stream.linear.gather [hbm4b:s15+s13], $0x7E0, $0x38;
	[tilespmem:$0x1FA40] =	vst v63  }
0x89: {  	_ =	swait.ge [sflag:s24], $0x7E0  }
0x8a: {  	[sflag:s24] =	ssyncset.done $0x0  }
0x8b: {  	s15 =	sadd.s32 $0x9D80, s15;
	[sflag:s24] =	ssyncadd.s32 $0xFFFFF820  }
0x8c: {  	[tilespmem:s26], [sflag:$0x3] =	stream.linear.gather [hbm4b:s15+s13], $0x7E0, $0x38;
	[tilespmem:$0x1FA40] =	vst v63  }
0x8d: {  	_ =	swait.ge [sflag:s24], $0x7E0  }
0x8e: {  	[sflag:s24] =	ssyncset.done $0x0  }
0x8f: {  	[sflag:s24] =	ssyncadd.s32 $0xFFFFF820  }
0x90: {  	[tilespmem:s22], [sflag:$0x1] =	stream.indirect.gather [hbm4b:s5+s28], $0x90, s13, s28, $0xb8;
	[tilespmem:$0x1FA40] =	vst v63  }
0x91: {  	_ = 	snop  }
0x92: {  	[tilespmem:s29], [sflag:$0x1] =	stream.indirect.gather [hbm4b:s5+s28], $0x90, s28, s28, $0xb8;
	[tilespmem:$0x1FA40] =	vst v63  }
0x93: {  	_ = 	snop  }
0x94: {  	[tilespmem:s31], [sflag:$0x1] =	stream.indirect.gather [hbm4b:s5+s28], $0x90, s30, s28, $0xb8;
	[tilespmem:$0x1FA40] =	vst v63  }
0x95: {  	_ = 	snop  }
0x96: {  	[tilespmem:s2], [sflag:$0x1] =	stream.indirect.gather [hbm4b:s5+s28], $0x90, s0, s28, $0xb8;
	[tilespmem:$0x1FA40] =	vst v63  }
0x97: {  	_ =	swait.ge [sflag:s23], $0x1F80  }
0x98: {  	[sflag:s23] =	ssyncset.done $0x0  }
0x99: {  	[sflag:s23] =	ssyncadd.s32 $0xFFFFE080  }
0x9a: {  	[spmem:s3] =	stream.indirect.scatter.add.f32 [tilespmem:s22], [sflag:$0x2], $0x90, s26, s28, $0xb8;
	[tilespmem:$0x1FA40] =	vst v63  }
0x9b: {  	_ =	swait.ge [sflag:s23], $0x1F80  }
0x9c: {  	[sflag:s23] =	ssyncset.done $0x0  }
0x9d: {  	[sflag:s23] =	ssyncadd.s32 $0xFFFFE080  }
0x9e: {  	[spmem:s3] =	stream.indirect.scatter.add.f32 [tilespmem:s29], [sflag:$0x2], $0x90, s7, s28, $0xb8;
	[tilespmem:$0x1FA40] =	vst v63  }
0x9f: {  	_ =	swait.ge [sflag:s23], $0x1F80  }
0xa0: {  	[sflag:s23] =	ssyncset.done $0x0  }
0xa1: {  	[sflag:s23] =	ssyncadd.s32 $0xFFFFE080  }
0xa2: {  	_ =	swait.ge [sflag:s8], $0x1F80  }
0xa3: {  	[sflag:s8] =	ssyncset.done $0x0  }
0xa4: {  	[sflag:s8] =	ssyncadd.s32 $0xFFFFE080  }
0xa5: {  	[tilespmem:s22], [sflag:$0x1] =	stream.indirect.gather [hbm4b:s5+s28], $0x90, s9, s28, $0xb8;
	[tilespmem:$0x1FA40] =	vst v63  }
0xa6: {  	_ = 	snop  }
0xa7: {  	[spmem:s3] =	stream.indirect.scatter.add.f32 [tilespmem:s31], [sflag:$0x2], $0x90, s10, s28, $0xb8;
	[tilespmem:$0x1FA40] =	vst v63  }
0xa8: {  	_ =	swait.ge [sflag:s23], $0x1F80  }
0xa9: {  	[sflag:s23] =	ssyncset.done $0x0  }
0xaa: {  	[sflag:s23] =	ssyncadd.s32 $0xFFFFE080  }
0xab: {  	_ =	swait.ge [sflag:s8], $0x1F80  }
0xac: {  	[sflag:s8] =	ssyncset.done $0x0  }
0xad: {  	[sflag:s8] =	ssyncadd.s32 $0xFFFFE080  }
0xae: {  	[tilespmem:s29], [sflag:$0x1] =	stream.indirect.gather [hbm4b:s5+s28], $0x90, s11, s28, $0xb8;
	[tilespmem:$0x1FA40] =	vst v63  }
0xaf: {  	s15 =	simm.s32 $0x0  }
0xb0: {  	[spmem:s3] =	stream.indirect.scatter.add.f32 [tilespmem:s2], [sflag:$0x2], $0x90, s12, s28, $0xb8;
	[tilespmem:$0x1FA40] =	vst v63  }
.LBB2_5:
0xb1: {  	_ =	swait.ge [sflag:s23], $0x1F80  }
0xb2: {  	[sflag:s23] =	ssyncset.done $0x0  }
0xb3: {  	[sflag:s23] =	ssyncadd.s32 $0xFFFFE080  }
0xb4: {  	_ =	swait.ge [sflag:s8], $0x1F80  }
0xb5: {  	s16 =	sshra.s32 s15, $0x2;
	[sflag:s8] =	ssyncset.done $0x0  }
0xb6: {  	s17 =	sadd.s32 $0x150, s16;
	[sflag:s8] =	ssyncadd.s32 $0xFFFFE080  }
0xb7: {  	[tilespmem:s31], [sflag:$0x1] =	stream.indirect.gather [hbm4b:s5+s28], $0x90, s17, s28, $0xb8;
	[tilespmem:$0x1FA40] =	vst v63  }
0xb8: {  	s20 =	sadd.s32 $0x8C0, s16  }
0xb9: {  	[spmem:s3] =	stream.indirect.scatter.add.f32 [tilespmem:s22], [sflag:$0x2], $0x90, s20, s28, $0xb8;
	[tilespmem:$0x1FA40] =	vst v63  }
0xba: {  	_ =	swait.ge [sflag:s23], $0x1F80  }
0xbb: {  	[sflag:s23] =	ssyncset.done $0x0  }
0xbc: {  	[sflag:s23] =	ssyncadd.s32 $0xFFFFE080  }
0xbd: {  	_ =	swait.ge [sflag:s8], $0x1F80  }
0xbe: {  	[sflag:s8] =	ssyncset.done $0x0  }
0xbf: {  	s20 =	sadd.s32 $0x188, s16;
	[sflag:s8] =	ssyncadd.s32 $0xFFFFE080  }
0xc0: {  	[tilespmem:s2], [sflag:$0x1] =	stream.indirect.gather [hbm4b:s5+s28], $0x90, s20, s28, $0xb8;
	[tilespmem:$0x1FA40] =	vst v63  }
0xc1: {  	s20 =	sadd.s32 $0x8F8, s16  }
0xc2: {  	[spmem:s3] =	stream.indirect.scatter.add.f32 [tilespmem:s29], [sflag:$0x2], $0x90, s20, s28, $0xb8;
	[tilespmem:$0x1FA40] =	vst v63  }
0xc3: {  	p0 =	seq.s32 s15, $0x1880;
	_ =	swait.ge [sflag:s23], $0x1F80  }
.Ltmp5:
0xc4: {  	[sflag:s23] =	ssyncset.done $0x0;
	(pc) =	sbr.rel @p0 .LBB2_7-.Ltmp5, $4  }
0xc5: {  	[sflag:s23] =	ssyncadd.s32 $0xFFFFE080  }
0xc6: {  	_ =	swait.ge [sflag:s8], $0x1F80  }
0xc7: {  	[sflag:s8] =	ssyncset.done $0x0  }
0xc8: {  	s17 =	sadd.s32 $0x930, s16;
	[sflag:s8] =	ssyncadd.s32 $0xFFFFE080  }
0xc9: {  	s20 =	sadd.s32 $0x1C0, s16  }
0xca: {  	[tilespmem:s22], [sflag:$0x1] =	stream.indirect.gather [hbm4b:s5+s28], $0x90, s20, s28, $0xb8;
	[tilespmem:$0x1FA40] =	vst v63  }
0xcb: {  	_ = 	snop  }
0xcc: {  	[spmem:s3] =	stream.indirect.scatter.add.f32 [tilespmem:s31], [sflag:$0x2], $0x90, s17, s28, $0xb8;
	[tilespmem:$0x1FA40] =	vst v63  }
0xcd: {  	_ =	swait.ge [sflag:s23], $0x1F80  }
0xce: {  	[sflag:s23] =	ssyncset.done $0x0  }
0xcf: {  	[sflag:s23] =	ssyncadd.s32 $0xFFFFE080  }
0xd0: {  	_ =	swait.ge [sflag:s8], $0x1F80  }
.Ltmp6:
0xd1: {  	[sflag:s8] =	ssyncset.done $0x0;
	(pc) =	sbr.rel .LBB2_5-.Ltmp6, $4  }
0xd2: {  	s20 =	sadd.s32 $0x1F8, s16;
	[sflag:s8] =	ssyncadd.s32 $0xFFFFE080  }
0xd3: {  	[tilespmem:s29], [sflag:$0x1] =	stream.indirect.gather [hbm4b:s5+s28], $0x90, s20, s28, $0xb8;
	[tilespmem:$0x1FA40] =	vst v63  }
0xd4: {  	s15 =	sadd.s32 $0x380, s15;
	s20 =	sadd.s32 $0x968, s16  }
0xd5: {  	[spmem:s3] =	stream.indirect.scatter.add.f32 [tilespmem:s2], [sflag:$0x2], $0x90, s20, s28, $0xb8;
	[tilespmem:$0x1FA40] =	vst v63  }
.LBB2_9:
0xd6: {  	_ =	sfence.sel $0x180000  }
0xd7: {  	[bflag:$0x0] =	sbarrier.arrive $0xFFFF  }
0xd8: {  	_ =	strace $0x90000047  }
0xd9: {  	s0 =	stileid.u32;
	[bflag:$0x2] =	sbarrier.arrive $0xFFFF  }
0xda: {  	p0 =	sne.s32 s0, $0x0;
	s0 =	rddreg [dreg:$0x3]  }
0xdb: {  	s0 =	sadd.s32 @!p0 $0x100000, s0  }
0xdc: {  	[sflag:s0] =	ssyncadd.tile.s32 @!p0 $0x1;
	_ =	shalt  }
.Lfunc_end2:
_tile_overlayer_lowered:
.L_overlay_start_2:
0xdd: {  	(tag) =	ssettag $0x2  }
0xde: {  	s0 =	rddreg [dreg:$0x0];
	s2 =	stileid.u32  }
0xdf: {  	s1 =	rddreg [dreg:$0x1];
	p0 =	sne.s32 s2, $0x0  }
0xe0: {  	s3 =	rddreg [dreg:$0x2];
	[bflag:$0x3] =	sbarrier.arrive $0xFFFF;
	s2 =	simm.s32 @!p0 $0x1C03  }
0xe1: {  	[timem:s3], [sflag:s2] =	dma.local @!p0 [hbm:s0], s1  }
0xe2: {  	s0 =	simm.s32 @!p0 $0x3  }
0xe3: {  	_ =	swait.ge @!p0 [sflag:s0], s1  }
0xe4: {  	s1 =	ssub.s32 @!p0 $0x0, s1;
	[sflag:s0] =	ssyncset.done @!p0 $0x0  }
0xe5: {  	[sflag:s0] =	ssyncadd.s32 @!p0 s1  }
0xe6: {  	[bflag:$0x3] =	sbarrier.arrive $0xFFFF  }
0xe7: {  	_ =	shalt  }

</sc_bundles>
